<compile_context>
chip_gen: v7x
topology: tpu7x:2x2x1
jax: 0.10.2.dev20260603
libtpu: 0.0.44.dev20260713+nightly
codegen_flags: <defaults>
</compile_context>

<pallas_src>
import functools

import jax
import jax.numpy as jnp
from jax import lax
from jax.experimental import pallas as pl
from jax.experimental.pallas import tpu as pltpu
from jax.experimental.pallas import tpu_sc as plsc

DIM = 64
PROMPT_LEN = 20
BATCH = 4096
D = PROMPT_LEN * DIM

_NC = 2
_NS = 16
_NW = _NC * _NS
_BPW = BATCH // _NW
_C = 16
_NCHUNK = _BPW // _C
_NB = 6


def _make_gather():
    mesh = plsc.VectorSubcoreMesh(
        core_axis_name="c", subcore_axis_name="s", num_cores=_NC)

    @functools.partial(
        pl.kernel,
        mesh=mesh,
        out_type=jax.ShapeDtypeStruct((BATCH, D), jnp.float32),
        compiler_params=pltpu.CompilerParams(skip_device_barrier=True),
        scratch_types=[
            pltpu.VMEM((_BPW,), jnp.int32),
        ]
        + [pltpu.VMEM((_C, D), jnp.float32) for _ in range(_NB)]
        + [pltpu.SemaphoreType.DMA for _ in range(2 * _NB)],
    )
    def gather_kernel(idx_hbm, table_hbm, out_hbm, idx_v, *rest):
        bufs = rest[:_NB]
        gsems = rest[_NB:2 * _NB]
        osems = rest[2 * _NB:]
        wid = lax.axis_index("s") * _NC + lax.axis_index("c")
        base = wid * _BPW
        pltpu.sync_copy(idx_hbm.at[pl.ds(base, _BPW)], idx_v)

        def gather(c):
            b = c % _NB
            return pltpu.async_copy(
                table_hbm.at[idx_v.at[pl.ds(c * _C, _C)]], bufs[b], gsems[b])

        def store(c):
            b = c % _NB
            return pltpu.async_copy(
                bufs[b], out_hbm.at[pl.ds(base + c * _C, _C)], osems[b])

        g_pend = [None] * _NB
        s_pend = [None] * _NB
        for c in range(min(_NB, _NCHUNK)):
            g_pend[c % _NB] = gather(c)
        for c in range(_NCHUNK):
            b = c % _NB
            g_pend[b].wait()
            g_pend[b] = None
            s_pend[b] = store(c)
            if c + _NB < _NCHUNK:
                s_pend[b].wait()
                s_pend[b] = None
                g_pend[b] = gather(c + _NB)
        for h in s_pend:
            if h is not None:
                h.wait()

    return gather_kernel


_gather = _make_gather()


def kernel(row_idx, emb_weight):
    out = _gather(row_idx.astype(jnp.int32), emb_weight)
    return out.reshape(BATCH, PROMPT_LEN, DIM)

# --- scband reference (transcript-rebuilt; emitter-appended) ---
"""Pipeline reference for scband-soft-prompt-table-74620761800802 (READ-ONLY COPY).

The authoritative reference and input builder live on the scoring server;
editing this copy changes nothing except your own understanding.
"""

import jax, jax.numpy as jnp
import numpy as np

NUM_USERS = 100000
DIM = 64
PROMPT_LEN = 20
BATCH = 4096

def setup_inputs(seed: int = 0) -> dict:
    key = jax.random.key(seed)
    k1, k2 = jax.random.split(key)
    row_idx = jax.random.randint(k1, (BATCH,), 0, NUM_USERS, dtype=jnp.int64 if jax.config.jax_enable_x64 else jnp.int32)
    emb_weight = jax.random.normal(k2, (NUM_USERS, PROMPT_LEN * DIM), dtype=jnp.float32) * 0.02
    return {"row_idx": row_idx, "emb_weight": emb_weight}

def reference(row_idx, emb_weight):
    # Embedding lookup: gather rows of the table
    x = jnp.take(emb_weight, row_idx, axis=0)  # [B, prompt_len * dim]
    return x.reshape(x.shape[0], PROMPT_LEN, DIM)

if __name__ == "__main__":
    import jax
    _d = setup_inputs()
    print(jax.jit(kernel)(*tuple(_d.values())))

</pallas_src>

<mosaic_0001>
#map = affine_map<(d0, d1) -> (0)>
#map1 = affine_map<(d0, d1) -> (0, 0)>
module attributes {stable_mosaic.version = 14 : i64} {
  func.func @gather_kernel(%arg0: i32, %arg1: i32, %arg2: memref<4096xi32, #tpu.memory_space<hbm>>, %arg3: memref<100000x1280xf32, #tpu.memory_space<hbm>>, %arg4: memref<4096x1280xf32, #tpu.memory_space<hbm>>, %arg5: memref<128xi32, #tpu.memory_space<vmem>>, %arg6: memref<16x1280xf32, #tpu.memory_space<vmem>>, %arg7: memref<16x1280xf32, #tpu.memory_space<vmem>>, %arg8: memref<16x1280xf32, #tpu.memory_space<vmem>>, %arg9: memref<16x1280xf32, #tpu.memory_space<vmem>>, %arg10: memref<16x1280xf32, #tpu.memory_space<vmem>>, %arg11: memref<16x1280xf32, #tpu.memory_space<vmem>>, %arg12: memref<!tpu.dma_semaphore, #tpu.memory_space<semaphore_mem>>, %arg13: memref<!tpu.dma_semaphore, #tpu.memory_space<semaphore_mem>>, %arg14: memref<!tpu.dma_semaphore, #tpu.memory_space<semaphore_mem>>, %arg15: memref<!tpu.dma_semaphore, #tpu.memory_space<semaphore_mem>>, %arg16: memref<!tpu.dma_semaphore, #tpu.memory_space<semaphore_mem>>, %arg17: memref<!tpu.dma_semaphore, #tpu.memory_space<semaphore_mem>>, %arg18: memref<!tpu.dma_semaphore, #tpu.memory_space<semaphore_mem>>, %arg19: memref<!tpu.dma_semaphore, #tpu.memory_space<semaphore_mem>>, %arg20: memref<!tpu.dma_semaphore, #tpu.memory_space<semaphore_mem>>, %arg21: memref<!tpu.dma_semaphore, #tpu.memory_space<semaphore_mem>>, %arg22: memref<!tpu.dma_semaphore, #tpu.memory_space<semaphore_mem>>, %arg23: memref<!tpu.dma_semaphore, #tpu.memory_space<semaphore_mem>>) attributes {dimension_semantics = [#tpu.dimension_semantics<core_parallel>, #tpu.dimension_semantics<subcore_parallel>], iteration_bounds = array<i64: 2, 16>, scalar_prefetch = 0 : i64, scratch_operands = 19 : i64, tpu.core_type = #tpu.core_type<sc_vector_subcore>, window_params = [{transform_indices = #map}, {transform_indices = #map1}, {transform_indices = #map1}]} {
    %mul3A = arith.constant 2 : i32
    %mul3A_0 = arith.muli %arg1, %mul3A : i32
    %add3A = arith.addi %mul3A_0, %arg0 : i32
    %mul3A_1 = arith.constant 128 : i32
    %mul3A_2 = arith.muli %add3A, %mul3A_1 : i32
    "tpu.region"() ({
      %run_scoped3A = tpu.sem_alloc : memref<!tpu.dma_semaphore, #tpu.memory_space<semaphore_mem>>
      %dma_start3A_161 = tpu.memref_slice %arg2[%mul3A_2] : memref<4096xi32, #tpu.memory_space<hbm>> -> memref<128xi32, #tpu.memory_space<hbm>>
      %dma_start3A_162 = tpu.memref_slice %arg2[%mul3A_2] : memref<4096xi32, #tpu.memory_space<hbm>> -> memref<128xi32, #tpu.memory_space<hbm>>
      tpu.enqueue_dma source(%dma_start3A_162 : memref<128xi32, #tpu.memory_space<hbm>>) target(%arg5 : memref<128xi32, #tpu.memory_space<vmem>>) target_semaphore(%run_scoped3A : memref<!tpu.dma_semaphore, #tpu.memory_space<semaphore_mem>>)
      %dma_wait3A_163 = tpu.memref_slice %arg2[%mul3A_2] : memref<4096xi32, #tpu.memory_space<hbm>> -> memref<128xi32, #tpu.memory_space<hbm>>
      %dma_wait3A_164 = tpu.memref_slice %arg2[%mul3A_2] : memref<4096xi32, #tpu.memory_space<hbm>> -> memref<128xi32, #tpu.memory_space<hbm>>
      tpu.wait_dma2 semaphore(%run_scoped3A : memref<!tpu.dma_semaphore, #tpu.memory_space<semaphore_mem>>) src(%dma_wait3A_164 : memref<128xi32, #tpu.memory_space<hbm>>) dst(%arg5 : memref<128xi32, #tpu.memory_space<vmem>>)
      tpu.yield
    }) : () -> ()
    %dma_start3A = arith.constant 0 : i32
    %dma_start3A_3 = tpu.memref_slice %arg5[%dma_start3A] : memref<128xi32, #tpu.memory_space<vmem>> -> memref<16xi32, #tpu.memory_space<vmem>>
    %dma_start3A_4 = arith.constant 0 : i32
    %dma_start3A_5 = arith.constant 0 : i32
    %dma_start3A_6 = tpu.memref_slice %arg3[%dma_start3A_4, %dma_start3A_5] : memref<100000x1280xf32, #tpu.memory_space<hbm>> -> memref<100000x1280xf32, #tpu.memory_space<hbm>>
    tpu.enqueue_indirect_dma source(%dma_start3A_6 : memref<100000x1280xf32, #tpu.memory_space<hbm>>) target(%arg6 : memref<16x1280xf32, #tpu.memory_space<vmem>>) offsets(%dma_start3A_3 : memref<16xi32, #tpu.memory_space<vmem>>) semaphore(%arg12 : memref<!tpu.dma_semaphore, #tpu.memory_space<semaphore_mem>>)
    %dma_start3A_7 = arith.constant 16 : i32
    %dma_start3A_8 = tpu.memref_slice %arg5[%dma_start3A_7] : memref<128xi32, #tpu.memory_space<vmem>> -> memref<16xi32, #tpu.memory_space<vmem>>
    %dma_start3A_9 = arith.constant 0 : i32
    %dma_start3A_10 = arith.constant 0 : i32
    %dma_start3A_11 = tpu.memref_slice %arg3[%dma_start3A_9, %dma_start3A_10] : memref<100000x1280xf32, #tpu.memory_space<hbm>> -> memref<100000x1280xf32, #tpu.memory_space<hbm>>
    tpu.enqueue_indirect_dma source(%dma_start3A_11 : memref<100000x1280xf32, #tpu.memory_space<hbm>>) target(%arg7 : memref<16x1280xf32, #tpu.memory_space<vmem>>) offsets(%dma_start3A_8 : memref<16xi32, #tpu.memory_space<vmem>>) semaphore(%arg13 : memref<!tpu.dma_semaphore, #tpu.memory_space<semaphore_mem>>)
    %dma_start3A_12 = arith.constant 32 : i32
    %dma_start3A_13 = tpu.memref_slice %arg5[%dma_start3A_12] : memref<128xi32, #tpu.memory_space<vmem>> -> memref<16xi32, #tpu.memory_space<vmem>>
    %dma_start3A_14 = arith.constant 0 : i32
    %dma_start3A_15 = arith.constant 0 : i32
    %dma_start3A_16 = tpu.memref_slice %arg3[%dma_start3A_14, %dma_start3A_15] : memref<100000x1280xf32, #tpu.memory_space<hbm>> -> memref<100000x1280xf32, #tpu.memory_space<hbm>>
    tpu.enqueue_indirect_dma source(%dma_start3A_16 : memref<100000x1280xf32, #tpu.memory_space<hbm>>) target(%arg8 : memref<16x1280xf32, #tpu.memory_space<vmem>>) offsets(%dma_start3A_13 : memref<16xi32, #tpu.memory_space<vmem>>) semaphore(%arg14 : memref<!tpu.dma_semaphore, #tpu.memory_space<semaphore_mem>>)
    %dma_start3A_17 = arith.constant 48 : i32
    %dma_start3A_18 = tpu.memref_slice %arg5[%dma_start3A_17] : memref<128xi32, #tpu.memory_space<vmem>> -> memref<16xi32, #tpu.memory_space<vmem>>
    %dma_start3A_19 = arith.constant 0 : i32
    %dma_start3A_20 = arith.constant 0 : i32
    %dma_start3A_21 = tpu.memref_slice %arg3[%dma_start3A_19, %dma_start3A_20] : memref<100000x1280xf32, #tpu.memory_space<hbm>> -> memref<100000x1280xf32, #tpu.memory_space<hbm>>
    tpu.enqueue_indirect_dma source(%dma_start3A_21 : memref<100000x1280xf32, #tpu.memory_space<hbm>>) target(%arg9 : memref<16x1280xf32, #tpu.memory_space<vmem>>) offsets(%dma_start3A_18 : memref<16xi32, #tpu.memory_space<vmem>>) semaphore(%arg15 : memref<!tpu.dma_semaphore, #tpu.memory_space<semaphore_mem>>)
    %dma_start3A_22 = arith.constant 64 : i32
    %dma_start3A_23 = tpu.memref_slice %arg5[%dma_start3A_22] : memref<128xi32, #tpu.memory_space<vmem>> -> memref<16xi32, #tpu.memory_space<vmem>>
    %dma_start3A_24 = arith.constant 0 : i32
    %dma_start3A_25 = arith.constant 0 : i32
    %dma_start3A_26 = tpu.memref_slice %arg3[%dma_start3A_24, %dma_start3A_25] : memref<100000x1280xf32, #tpu.memory_space<hbm>> -> memref<100000x1280xf32, #tpu.memory_space<hbm>>
    tpu.enqueue_indirect_dma source(%dma_start3A_26 : memref<100000x1280xf32, #tpu.memory_space<hbm>>) target(%arg10 : memref<16x1280xf32, #tpu.memory_space<vmem>>) offsets(%dma_start3A_23 : memref<16xi32, #tpu.memory_space<vmem>>) semaphore(%arg16 : memref<!tpu.dma_semaphore, #tpu.memory_space<semaphore_mem>>)
    %dma_start3A_27 = arith.constant 80 : i32
    %dma_start3A_28 = tpu.memref_slice %arg5[%dma_start3A_27] : memref<128xi32, #tpu.memory_space<vmem>> -> memref<16xi32, #tpu.memory_space<vmem>>
    %dma_start3A_29 = arith.constant 0 : i32
    %dma_start3A_30 = arith.constant 0 : i32
    %dma_start3A_31 = tpu.memref_slice %arg3[%dma_start3A_29, %dma_start3A_30] : memref<100000x1280xf32, #tpu.memory_space<hbm>> -> memref<100000x1280xf32, #tpu.memory_space<hbm>>
    tpu.enqueue_indirect_dma source(%dma_start3A_31 : memref<100000x1280xf32, #tpu.memory_space<hbm>>) target(%arg11 : memref<16x1280xf32, #tpu.memory_space<vmem>>) offsets(%dma_start3A_28 : memref<16xi32, #tpu.memory_space<vmem>>) semaphore(%arg17 : memref<!tpu.dma_semaphore, #tpu.memory_space<semaphore_mem>>)
    %dma_wait3A = arith.constant 0 : i32
    %dma_wait3A_32 = tpu.memref_slice %arg5[%dma_wait3A] : memref<128xi32, #tpu.memory_space<vmem>> -> memref<16xi32, #tpu.memory_space<vmem>>
    %dma_wait3A_33 = arith.constant 0 : i32
    %dma_wait3A_34 = arith.constant 0 : i32
    %dma_wait3A_35 = tpu.memref_slice %arg3[%dma_wait3A_33, %dma_wait3A_34] : memref<100000x1280xf32, #tpu.memory_space<hbm>> -> memref<100000x1280xf32, #tpu.memory_space<hbm>>
    tpu.wait_indirect_dma semaphore(%arg12 : memref<!tpu.dma_semaphore, #tpu.memory_space<semaphore_mem>>) src(%dma_wait3A_35 : memref<100000x1280xf32, #tpu.memory_space<hbm>>) dst(%arg6 : memref<16x1280xf32, #tpu.memory_space<vmem>>)
    %add3A_36 = arith.constant 0 : i32
    %add3A_37 = arith.addi %mul3A_2, %add3A_36 : i32
    %dma_start3A_38 = arith.constant 0 : i32
    %dma_start3A_39 = tpu.memref_slice %arg4[%add3A_37, %dma_start3A_38] : memref<4096x1280xf32, #tpu.memory_space<hbm>> -> memref<16x1280xf32, #tpu.memory_space<hbm>>
    %dma_start3A_40 = arith.constant 0 : i32
    %dma_start3A_41 = tpu.memref_slice %arg4[%add3A_37, %dma_start3A_40] : memref<4096x1280xf32, #tpu.memory_space<hbm>> -> memref<16x1280xf32, #tpu.memory_space<hbm>>
    tpu.enqueue_dma source(%arg6 : memref<16x1280xf32, #tpu.memory_space<vmem>>) target(%dma_start3A_41 : memref<16x1280xf32, #tpu.memory_space<hbm>>) target_semaphore(%arg18 : memref<!tpu.dma_semaphore, #tpu.memory_space<semaphore_mem>>)
    %dma_wait3A_42 = arith.constant 0 : i32
    %dma_wait3A_43 = tpu.memref_slice %arg4[%add3A_37, %dma_wait3A_42] : memref<4096x1280xf32, #tpu.memory_space<hbm>> -> memref<16x1280xf32, #tpu.memory_space<hbm>>
    %dma_wait3A_44 = arith.constant 0 : i32
    %dma_wait3A_45 = tpu.memref_slice %arg4[%add3A_37, %dma_wait3A_44] : memref<4096x1280xf32, #tpu.memory_space<hbm>> -> memref<16x1280xf32, #tpu.memory_space<hbm>>
    tpu.wait_dma2 semaphore(%arg18 : memref<!tpu.dma_semaphore, #tpu.memory_space<semaphore_mem>>) src(%arg6 : memref<16x1280xf32, #tpu.memory_space<vmem>>) dst(%dma_wait3A_45 : memref<16x1280xf32, #tpu.memory_space<hbm>>)
    %dma_start3A_46 = arith.constant 96 : i32
    %dma_start3A_47 = tpu.memref_slice %arg5[%dma_start3A_46] : memref<128xi32, #tpu.memory_space<vmem>> -> memref<16xi32, #tpu.memory_space<vmem>>
    %dma_start3A_48 = arith.constant 0 : i32
    %dma_start3A_49 = arith.constant 0 : i32
    %dma_start3A_50 = tpu.memref_slice %arg3[%dma_start3A_48, %dma_start3A_49] : memref<100000x1280xf32, #tpu.memory_space<hbm>> -> memref<100000x1280xf32, #tpu.memory_space<hbm>>
    tpu.enqueue_indirect_dma source(%dma_start3A_50 : memref<100000x1280xf32, #tpu.memory_space<hbm>>) target(%arg6 : memref<16x1280xf32, #tpu.memory_space<vmem>>) offsets(%dma_start3A_47 : memref<16xi32, #tpu.memory_space<vmem>>) semaphore(%arg12 : memref<!tpu.dma_semaphore, #tpu.memory_space<semaphore_mem>>)
    %dma_wait3A_51 = arith.constant 16 : i32
    %dma_wait3A_52 = tpu.memref_slice %arg5[%dma_wait3A_51] : memref<128xi32, #tpu.memory_space<vmem>> -> memref<16xi32, #tpu.memory_space<vmem>>
    %dma_wait3A_53 = arith.constant 0 : i32
    %dma_wait3A_54 = arith.constant 0 : i32
    %dma_wait3A_55 = tpu.memref_slice %arg3[%dma_wait3A_53, %dma_wait3A_54] : memref<100000x1280xf32, #tpu.memory_space<hbm>> -> memref<100000x1280xf32, #tpu.memory_space<hbm>>
    tpu.wait_indirect_dma semaphore(%arg13 : memref<!tpu.dma_semaphore, #tpu.memory_space<semaphore_mem>>) src(%dma_wait3A_55 : memref<100000x1280xf32, #tpu.memory_space<hbm>>) dst(%arg7 : memref<16x1280xf32, #tpu.memory_space<vmem>>)
    %add3A_56 = arith.constant 16 : i32
    %add3A_57 = arith.addi %mul3A_2, %add3A_56 : i32
    %dma_start3A_58 = arith.constant 0 : i32
    %dma_start3A_59 = tpu.memref_slice %arg4[%add3A_57, %dma_start3A_58] : memref<4096x1280xf32, #tpu.memory_space<hbm>> -> memref<16x1280xf32, #tpu.memory_space<hbm>>
    %dma_start3A_60 = arith.constant 0 : i32
    %dma_start3A_61 = tpu.memref_slice %arg4[%add3A_57, %dma_start3A_60] : memref<4096x1280xf32, #tpu.memory_space<hbm>> -> memref<16x1280xf32, #tpu.memory_space<hbm>>
    tpu.enqueue_dma source(%arg7 : memref<16x1280xf32, #tpu.memory_space<vmem>>) target(%dma_start3A_61 : memref<16x1280xf32, #tpu.memory_space<hbm>>) target_semaphore(%arg19 : memref<!tpu.dma_semaphore, #tpu.memory_space<semaphore_mem>>)
    %dma_wait3A_62 = arith.constant 0 : i32
    %dma_wait3A_63 = tpu.memref_slice %arg4[%add3A_57, %dma_wait3A_62] : memref<4096x1280xf32, #tpu.memory_space<hbm>> -> memref<16x1280xf32, #tpu.memory_space<hbm>>
    %dma_wait3A_64 = arith.constant 0 : i32
    %dma_wait3A_65 = tpu.memref_slice %arg4[%add3A_57, %dma_wait3A_64] : memref<4096x1280xf32, #tpu.memory_space<hbm>> -> memref<16x1280xf32, #tpu.memory_space<hbm>>
    tpu.wait_dma2 semaphore(%arg19 : memref<!tpu.dma_semaphore, #tpu.memory_space<semaphore_mem>>) src(%arg7 : memref<16x1280xf32, #tpu.memory_space<vmem>>) dst(%dma_wait3A_65 : memref<16x1280xf32, #tpu.memory_space<hbm>>)
    %dma_start3A_66 = arith.constant 112 : i32
    %dma_start3A_67 = tpu.memref_slice %arg5[%dma_start3A_66] : memref<128xi32, #tpu.memory_space<vmem>> -> memref<16xi32, #tpu.memory_space<vmem>>
    %dma_start3A_68 = arith.constant 0 : i32
    %dma_start3A_69 = arith.constant 0 : i32
    %dma_start3A_70 = tpu.memref_slice %arg3[%dma_start3A_68, %dma_start3A_69] : memref<100000x1280xf32, #tpu.memory_space<hbm>> -> memref<100000x1280xf32, #tpu.memory_space<hbm>>
    tpu.enqueue_indirect_dma source(%dma_start3A_70 : memref<100000x1280xf32, #tpu.memory_space<hbm>>) target(%arg7 : memref<16x1280xf32, #tpu.memory_space<vmem>>) offsets(%dma_start3A_67 : memref<16xi32, #tpu.memory_space<vmem>>) semaphore(%arg13 : memref<!tpu.dma_semaphore, #tpu.memory_space<semaphore_mem>>)
    %dma_wait3A_71 = arith.constant 32 : i32
    %dma_wait3A_72 = tpu.memref_slice %arg5[%dma_wait3A_71] : memref<128xi32, #tpu.memory_space<vmem>> -> memref<16xi32, #tpu.memory_space<vmem>>
    %dma_wait3A_73 = arith.constant 0 : i32
    %dma_wait3A_74 = arith.constant 0 : i32
    %dma_wait3A_75 = tpu.memref_slice %arg3[%dma_wait3A_73, %dma_wait3A_74] : memref<100000x1280xf32, #tpu.memory_space<hbm>> -> memref<100000x1280xf32, #tpu.memory_space<hbm>>
    tpu.wait_indirect_dma semaphore(%arg14 : memref<!tpu.dma_semaphore, #tpu.memory_space<semaphore_mem>>) src(%dma_wait3A_75 : memref<100000x1280xf32, #tpu.memory_space<hbm>>) dst(%arg8 : memref<16x1280xf32, #tpu.memory_space<vmem>>)
    %add3A_76 = arith.constant 32 : i32
    %add3A_77 = arith.addi %mul3A_2, %add3A_76 : i32
    %dma_start3A_78 = arith.constant 0 : i32
    %dma_start3A_79 = tpu.memref_slice %arg4[%add3A_77, %dma_start3A_78] : memref<4096x1280xf32, #tpu.memory_space<hbm>> -> memref<16x1280xf32, #tpu.memory_space<hbm>>
    %dma_start3A_80 = arith.constant 0 : i32
    %dma_start3A_81 = tpu.memref_slice %arg4[%add3A_77, %dma_start3A_80] : memref<4096x1280xf32, #tpu.memory_space<hbm>> -> memref<16x1280xf32, #tpu.memory_space<hbm>>
    tpu.enqueue_dma source(%arg8 : memref<16x1280xf32, #tpu.memory_space<vmem>>) target(%dma_start3A_81 : memref<16x1280xf32, #tpu.memory_space<hbm>>) target_semaphore(%arg20 : memref<!tpu.dma_semaphore, #tpu.memory_space<semaphore_mem>>)
    %dma_wait3A_82 = arith.constant 48 : i32
    %dma_wait3A_83 = tpu.memref_slice %arg5[%dma_wait3A_82] : memref<128xi32, #tpu.memory_space<vmem>> -> memref<16xi32, #tpu.memory_space<vmem>>
    %dma_wait3A_84 = arith.constant 0 : i32
    %dma_wait3A_85 = arith.constant 0 : i32
    %dma_wait3A_86 = tpu.memref_slice %arg3[%dma_wait3A_84, %dma_wait3A_85] : memref<100000x1280xf32, #tpu.memory_space<hbm>> -> memref<100000x1280xf32, #tpu.memory_space<hbm>>
    tpu.wait_indirect_dma semaphore(%arg15 : memref<!tpu.dma_semaphore, #tpu.memory_space<semaphore_mem>>) src(%dma_wait3A_86 : memref<100000x1280xf32, #tpu.memory_space<hbm>>) dst(%arg9 : memref<16x1280xf32, #tpu.memory_space<vmem>>)
    %add3A_87 = arith.constant 48 : i32
    %add3A_88 = arith.addi %mul3A_2, %add3A_87 : i32
    %dma_start3A_89 = arith.constant 0 : i32
    %dma_start3A_90 = tpu.memref_slice %arg4[%add3A_88, %dma_start3A_89] : memref<4096x1280xf32, #tpu.memory_space<hbm>> -> memref<16x1280xf32, #tpu.memory_space<hbm>>
    %dma_start3A_91 = arith.constant 0 : i32
    %dma_start3A_92 = tpu.memref_slice %arg4[%add3A_88, %dma_start3A_91] : memref<4096x1280xf32, #tpu.memory_space<hbm>> -> memref<16x1280xf32, #tpu.memory_space<hbm>>
    tpu.enqueue_dma source(%arg9 : memref<16x1280xf32, #tpu.memory_space<vmem>>) target(%dma_start3A_92 : memref<16x1280xf32, #tpu.memory_space<hbm>>) target_semaphore(%arg21 : memref<!tpu.dma_semaphore, #tpu.memory_space<semaphore_mem>>)
    %dma_wait3A_93 = arith.constant 64 : i32
    %dma_wait3A_94 = tpu.memref_slice %arg5[%dma_wait3A_93] : memref<128xi32, #tpu.memory_space<vmem>> -> memref<16xi32, #tpu.memory_space<vmem>>
    %dma_wait3A_95 = arith.constant 0 : i32
    %dma_wait3A_96 = arith.constant 0 : i32
    %dma_wait3A_97 = tpu.memref_slice %arg3[%dma_wait3A_95, %dma_wait3A_96] : memref<100000x1280xf32, #tpu.memory_space<hbm>> -> memref<100000x1280xf32, #tpu.memory_space<hbm>>
    tpu.wait_indirect_dma semaphore(%arg16 : memref<!tpu.dma_semaphore, #tpu.memory_space<semaphore_mem>>) src(%dma_wait3A_97 : memref<100000x1280xf32, #tpu.memory_space<hbm>>) dst(%arg10 : memref<16x1280xf32, #tpu.memory_space<vmem>>)
    %add3A_98 = arith.constant 64 : i32
    %add3A_99 = arith.addi %mul3A_2, %add3A_98 : i32
    %dma_start3A_100 = arith.constant 0 : i32
    %dma_start3A_101 = tpu.memref_slice %arg4[%add3A_99, %dma_start3A_100] : memref<4096x1280xf32, #tpu.memory_space<hbm>> -> memref<16x1280xf32, #tpu.memory_space<hbm>>
    %dma_start3A_102 = arith.constant 0 : i32
    %dma_start3A_103 = tpu.memref_slice %arg4[%add3A_99, %dma_start3A_102] : memref<4096x1280xf32, #tpu.memory_space<hbm>> -> memref<16x1280xf32, #tpu.memory_space<hbm>>
    tpu.enqueue_dma source(%arg10 : memref<16x1280xf32, #tpu.memory_space<vmem>>) target(%dma_start3A_103 : memref<16x1280xf32, #tpu.memory_space<hbm>>) target_semaphore(%arg22 : memref<!tpu.dma_semaphore, #tpu.memory_space<semaphore_mem>>)
    %dma_wait3A_104 = arith.constant 80 : i32
    %dma_wait3A_105 = tpu.memref_slice %arg5[%dma_wait3A_104] : memref<128xi32, #tpu.memory_space<vmem>> -> memref<16xi32, #tpu.memory_space<vmem>>
    %dma_wait3A_106 = arith.constant 0 : i32
    %dma_wait3A_107 = arith.constant 0 : i32
    %dma_wait3A_108 = tpu.memref_slice %arg3[%dma_wait3A_106, %dma_wait3A_107] : memref<100000x1280xf32, #tpu.memory_space<hbm>> -> memref<100000x1280xf32, #tpu.memory_space<hbm>>
    tpu.wait_indirect_dma semaphore(%arg17 : memref<!tpu.dma_semaphore, #tpu.memory_space<semaphore_mem>>) src(%dma_wait3A_108 : memref<100000x1280xf32, #tpu.memory_space<hbm>>) dst(%arg11 : memref<16x1280xf32, #tpu.memory_space<vmem>>)
    %add3A_109 = arith.constant 80 : i32
    %add3A_110 = arith.addi %mul3A_2, %add3A_109 : i32
    %dma_start3A_111 = arith.constant 0 : i32
    %dma_start3A_112 = tpu.memref_slice %arg4[%add3A_110, %dma_start3A_111] : memref<4096x1280xf32, #tpu.memory_space<hbm>> -> memref<16x1280xf32, #tpu.memory_space<hbm>>
    %dma_start3A_113 = arith.constant 0 : i32
    %dma_start3A_114 = tpu.memref_slice %arg4[%add3A_110, %dma_start3A_113] : memref<4096x1280xf32, #tpu.memory_space<hbm>> -> memref<16x1280xf32, #tpu.memory_space<hbm>>
    tpu.enqueue_dma source(%arg11 : memref<16x1280xf32, #tpu.memory_space<vmem>>) target(%dma_start3A_114 : memref<16x1280xf32, #tpu.memory_space<hbm>>) target_semaphore(%arg23 : memref<!tpu.dma_semaphore, #tpu.memory_space<semaphore_mem>>)
    %dma_wait3A_115 = arith.constant 96 : i32
    %dma_wait3A_116 = tpu.memref_slice %arg5[%dma_wait3A_115] : memref<128xi32, #tpu.memory_space<vmem>> -> memref<16xi32, #tpu.memory_space<vmem>>
    %dma_wait3A_117 = arith.constant 0 : i32
    %dma_wait3A_118 = arith.constant 0 : i32
    %dma_wait3A_119 = tpu.memref_slice %arg3[%dma_wait3A_117, %dma_wait3A_118] : memref<100000x1280xf32, #tpu.memory_space<hbm>> -> memref<100000x1280xf32, #tpu.memory_space<hbm>>
    tpu.wait_indirect_dma semaphore(%arg12 : memref<!tpu.dma_semaphore, #tpu.memory_space<semaphore_mem>>) src(%dma_wait3A_119 : memref<100000x1280xf32, #tpu.memory_space<hbm>>) dst(%arg6 : memref<16x1280xf32, #tpu.memory_space<vmem>>)
    %add3A_120 = arith.constant 96 : i32
    %add3A_121 = arith.addi %mul3A_2, %add3A_120 : i32
    %dma_start3A_122 = arith.constant 0 : i32
    %dma_start3A_123 = tpu.memref_slice %arg4[%add3A_121, %dma_start3A_122] : memref<4096x1280xf32, #tpu.memory_space<hbm>> -> memref<16x1280xf32, #tpu.memory_space<hbm>>
    %dma_start3A_124 = arith.constant 0 : i32
    %dma_start3A_125 = tpu.memref_slice %arg4[%add3A_121, %dma_start3A_124] : memref<4096x1280xf32, #tpu.memory_space<hbm>> -> memref<16x1280xf32, #tpu.memory_space<hbm>>
    tpu.enqueue_dma source(%arg6 : memref<16x1280xf32, #tpu.memory_space<vmem>>) target(%dma_start3A_125 : memref<16x1280xf32, #tpu.memory_space<hbm>>) target_semaphore(%arg18 : memref<!tpu.dma_semaphore, #tpu.memory_space<semaphore_mem>>)
    %dma_wait3A_126 = arith.constant 112 : i32
    %dma_wait3A_127 = tpu.memref_slice %arg5[%dma_wait3A_126] : memref<128xi32, #tpu.memory_space<vmem>> -> memref<16xi32, #tpu.memory_space<vmem>>
    %dma_wait3A_128 = arith.constant 0 : i32
    %dma_wait3A_129 = arith.constant 0 : i32
    %dma_wait3A_130 = tpu.memref_slice %arg3[%dma_wait3A_128, %dma_wait3A_129] : memref<100000x1280xf32, #tpu.memory_space<hbm>> -> memref<100000x1280xf32, #tpu.memory_space<hbm>>
    tpu.wait_indirect_dma semaphore(%arg13 : memref<!tpu.dma_semaphore, #tpu.memory_space<semaphore_mem>>) src(%dma_wait3A_130 : memref<100000x1280xf32, #tpu.memory_space<hbm>>) dst(%arg7 : memref<16x1280xf32, #tpu.memory_space<vmem>>)
    %add3A_131 = arith.constant 112 : i32
    %add3A_132 = arith.addi %mul3A_2, %add3A_131 : i32
    %dma_start3A_133 = arith.constant 0 : i32
    %dma_start3A_134 = tpu.memref_slice %arg4[%add3A_132, %dma_start3A_133] : memref<4096x1280xf32, #tpu.memory_space<hbm>> -> memref<16x1280xf32, #tpu.memory_space<hbm>>
    %dma_start3A_135 = arith.constant 0 : i32
    %dma_start3A_136 = tpu.memref_slice %arg4[%add3A_132, %dma_start3A_135] : memref<4096x1280xf32, #tpu.memory_space<hbm>> -> memref<16x1280xf32, #tpu.memory_space<hbm>>
    tpu.enqueue_dma source(%arg7 : memref<16x1280xf32, #tpu.memory_space<vmem>>) target(%dma_start3A_136 : memref<16x1280xf32, #tpu.memory_space<hbm>>) target_semaphore(%arg19 : memref<!tpu.dma_semaphore, #tpu.memory_space<semaphore_mem>>)
    %dma_wait3A_137 = arith.constant 0 : i32
    %dma_wait3A_138 = tpu.memref_slice %arg4[%add3A_121, %dma_wait3A_137] : memref<4096x1280xf32, #tpu.memory_space<hbm>> -> memref<16x1280xf32, #tpu.memory_space<hbm>>
    %dma_wait3A_139 = arith.constant 0 : i32
    %dma_wait3A_140 = tpu.memref_slice %arg4[%add3A_121, %dma_wait3A_139] : memref<4096x1280xf32, #tpu.memory_space<hbm>> -> memref<16x1280xf32, #tpu.memory_space<hbm>>
    tpu.wait_dma2 semaphore(%arg18 : memref<!tpu.dma_semaphore, #tpu.memory_space<semaphore_mem>>) src(%arg6 : memref<16x1280xf32, #tpu.memory_space<vmem>>) dst(%dma_wait3A_140 : memref<16x1280xf32, #tpu.memory_space<hbm>>)
    %dma_wait3A_141 = arith.constant 0 : i32
    %dma_wait3A_142 = tpu.memref_slice %arg4[%add3A_132, %dma_wait3A_141] : memref<4096x1280xf32, #tpu.memory_space<hbm>> -> memref<16x1280xf32, #tpu.memory_space<hbm>>
    %dma_wait3A_143 = arith.constant 0 : i32
    %dma_wait3A_144 = tpu.memref_slice %arg4[%add3A_132, %dma_wait3A_143] : memref<4096x1280xf32, #tpu.memory_space<hbm>> -> memref<16x1280xf32, #tpu.memory_space<hbm>>
    tpu.wait_dma2 semaphore(%arg19 : memref<!tpu.dma_semaphore, #tpu.memory_space<semaphore_mem>>) src(%arg7 : memref<16x1280xf32, #tpu.memory_space<vmem>>) dst(%dma_wait3A_144 : memref<16x1280xf32, #tpu.memory_space<hbm>>)
    %dma_wait3A_145 = arith.constant 0 : i32
    %dma_wait3A_146 = tpu.memref_slice %arg4[%add3A_77, %dma_wait3A_145] : memref<4096x1280xf32, #tpu.memory_space<hbm>> -> memref<16x1280xf32, #tpu.memory_space<hbm>>
    %dma_wait3A_147 = arith.constant 0 : i32
    %dma_wait3A_148 = tpu.memref_slice %arg4[%add3A_77, %dma_wait3A_147] : memref<4096x1280xf32, #tpu.memory_space<hbm>> -> memref<16x1280xf32, #tpu.memory_space<hbm>>
    tpu.wait_dma2 semaphore(%arg20 : memref<!tpu.dma_semaphore, #tpu.memory_space<semaphore_mem>>) src(%arg8 : memref<16x1280xf32, #tpu.memory_space<vmem>>) dst(%dma_wait3A_148 : memref<16x1280xf32, #tpu.memory_space<hbm>>)
    %dma_wait3A_149 = arith.constant 0 : i32
    %dma_wait3A_150 = tpu.memref_slice %arg4[%add3A_88, %dma_wait3A_149] : memref<4096x1280xf32, #tpu.memory_space<hbm>> -> memref<16x1280xf32, #tpu.memory_space<hbm>>
    %dma_wait3A_151 = arith.constant 0 : i32
    %dma_wait3A_152 = tpu.memref_slice %arg4[%add3A_88, %dma_wait3A_151] : memref<4096x1280xf32, #tpu.memory_space<hbm>> -> memref<16x1280xf32, #tpu.memory_space<hbm>>
    tpu.wait_dma2 semaphore(%arg21 : memref<!tpu.dma_semaphore, #tpu.memory_space<semaphore_mem>>) src(%arg9 : memref<16x1280xf32, #tpu.memory_space<vmem>>) dst(%dma_wait3A_152 : memref<16x1280xf32, #tpu.memory_space<hbm>>)
    %dma_wait3A_153 = arith.constant 0 : i32
    %dma_wait3A_154 = tpu.memref_slice %arg4[%add3A_99, %dma_wait3A_153] : memref<4096x1280xf32, #tpu.memory_space<hbm>> -> memref<16x1280xf32, #tpu.memory_space<hbm>>
    %dma_wait3A_155 = arith.constant 0 : i32
    %dma_wait3A_156 = tpu.memref_slice %arg4[%add3A_99, %dma_wait3A_155] : memref<4096x1280xf32, #tpu.memory_space<hbm>> -> memref<16x1280xf32, #tpu.memory_space<hbm>>
    tpu.wait_dma2 semaphore(%arg22 : memref<!tpu.dma_semaphore, #tpu.memory_space<semaphore_mem>>) src(%arg10 : memref<16x1280xf32, #tpu.memory_space<vmem>>) dst(%dma_wait3A_156 : memref<16x1280xf32, #tpu.memory_space<hbm>>)
    %dma_wait3A_157 = arith.constant 0 : i32
    %dma_wait3A_158 = tpu.memref_slice %arg4[%add3A_110, %dma_wait3A_157] : memref<4096x1280xf32, #tpu.memory_space<hbm>> -> memref<16x1280xf32, #tpu.memory_space<hbm>>
    %dma_wait3A_159 = arith.constant 0 : i32
    %dma_wait3A_160 = tpu.memref_slice %arg4[%add3A_110, %dma_wait3A_159] : memref<4096x1280xf32, #tpu.memory_space<hbm>> -> memref<16x1280xf32, #tpu.memory_space<hbm>>
    tpu.wait_dma2 semaphore(%arg23 : memref<!tpu.dma_semaphore, #tpu.memory_space<semaphore_mem>>) src(%arg11 : memref<16x1280xf32, #tpu.memory_space<vmem>>) dst(%dma_wait3A_160 : memref<16x1280xf32, #tpu.memory_space<hbm>>)
    return
  }
}

</mosaic_0001>

<sc_bundles>
// kernel: kernel.3.cloned.1.call-start
scs
__scs_entry_jumppad:
0x0: {  	(pc) =	sbr.rel $0x88, $3  }
0x1: {  	(tag) =	ssettag $0x0;
	lr =	simm.s32 $0x1  }
0x2: {  	[smem:$0x3F9F] =	sst lr;
	_ =	strace $0xD0000000  }
0x3: {  	_ = 	snop  }
0x4: {  	_ = 	snop  }
0x5: {  	_ = 	snop  }
0x6: {  	_ = 	snop  }
0x7: {  	_ = 	snop  }
__scs_overlays_trampoline_lowered:
0x8: {  	[smem:$0x3FAE] =	sst s0  }
0x9: {  	[smem:$0x3FAF] =	sst s1  }
0xa: {  	[smem:$0x3FB0] =	sst s2  }
0xb: {  	[smem:$0x3FB1] =	sst s3  }
0xc: {  	[smem:$0x3FB2] =	sst s4  }
0xd: {  	[smem:$0x3FB3] =	sst s5  }
0xe: {  	[smem:$0x3FB4] =	sst s6  }
0xf: {  	[smem:$0x3FB5] =	sst s7  }
0x10: {  	[smem:$0x3FB6] =	sst s8  }
0x11: {  	[smem:$0x3FB7] =	sst s9;
	s0 =	simm.s32 @!p0 $0x0  }
0x12: {  	s1 =	sld [smem:$0x3F9D];
	s0 =	simm.s32 @p0 $0x1  }
0x13: {  	[smem:$0x3FB8] =	sst s0;
	s0 =	simm.s32 @!p1 $0x0  }
0x14: {  	s2 =	sld [smem:$0x3F9C];
	s0 =	simm.s32 @p1 $0x1  }
0x15: {  	[smem:$0x3FB9] =	sst s0;
	s0 =	simm.s32 @!p2 $0x0  }
0x16: {  	s3 =	sld [smem:$0x3FDB];
	s0 =	simm.s32 @p2 $0x1  }
0x17: {  	s4 =	simm.s32 $0x1BF5;
	[smem:$0x3FBB] =	sst s0  }
0x18: {  	s0 =	sld [smem:$0x3F9E];
	_ =	swait.ge [sflag:s4], $0x0  }
0x19: {  	s7 =	sld [smem:$0x3F9F]  }
0x1a: {  	s8 =	sadd.s32 $0xFFFFE003, lr  }
0x1b: {  	s9 =	sadd.s32 $0xFFFFFEF7, lr;
	s5 =	simm.s32 $0xFFFFFFFF;
	p2 =	slt.u32 s8, $0xFFFFF086  }
0x1c: {  	p1 =	slt.u32 s9, $0xF7A;
	s5 =	simm.s32 @!p2 $0x0  }
0x1d: {  	s5 =	simm.s32 @p1 $0x1;
	p0 =	seq.s32 s7, s2  }
0x1e: {  	s7 =	smul.u32 @!p0 $0xF7A, s2;
	p2 =	seq.s32 @!p0 s5, $0x0  }
0x1f: {  	s9 =	smul.u32 $0xF7A, s1;
	s8 =	simm.s32 @!p0 $0x1BF5;
	p2 =	por !p2, p0  }
0x20: {  	[sflag:s8] =	ssyncset.s32 @!p0 $0xFFFFF086;
	s6 =	sadd.s32 @!p0 s3, s7;
	s7 =	simm.s32 @!p0 $0x108  }
0x21: {  	s3 =	sadd.s32 s3, s9;
	s6 =	sadd.s32 @!p0 $0x88, s6;
	s7 =	simm.s32 @p2 $0x1082  }
0x22: {  	[simem:s7], [sflag:s8] =	dma.local @!p0 [hbm:s6], $0xF7A  }
0x23: {  	s9 =	sor.u32 $0xD0000000, s2;
	s6 =	simm.s32 $0x108;
	_ =	swait.ge @!p0 [sflag:s8], $0x0  }
0x24: {  	s3 =	sadd.s32 $0x88, s3;
	s6 =	simm.s32 @!p1 $0x1082;
	[sflag:s4] =	ssyncset.s32 $0xFFFFF086  }
0x25: {  	[simem:s6], [sflag:s4] =	dma.local [hbm:s3], $0xF7A  }
0x26: {  	[smem:$0x3F9F] =	sst s1;
	(tag) =	ssettag s2;
	_ =	strace s9  }
0x27: {  	s1 =	sld [smem:$0x3FAF]  }
0x28: {  	s2 =	sld [smem:$0x3FB0]  }
0x29: {  	s4 =	sld [smem:$0x3FB2]  }
0x2a: {  	p0 =	seq.s32 s5, $0x0;
	s5 =	sld [smem:$0x3FB3]  }
0x2b: {  	s6 =	sld [smem:$0x3FB4]  }
0x2c: {  	s7 =	sld [smem:$0x3FB5]  }
0x2d: {  	s3 =	simm.s32 $0x108;
	s8 =	sld [smem:$0x3FB6]  }
0x2e: {  	s3 =	simm.s32 @!p0 $0x1082;
	s9 =	sld [smem:$0x3FB7]  }
0x2f: {  	lr =	sadd.s32 s0, s3;
	s0 =	sld [smem:$0x3FAE]  }
0x30: {  	s3 =	sld [smem:$0x3FB1]  }
0x31: {  	[smem:$0x3FBA] =	sst s10  }
0x32: {  	s10 =	sld [smem:$0x3FB8];
	_ =	sdelay $0x3  }
0x33: {  	p0 =	seq.s32 s10, $0x1;
	s10 =	sld [smem:$0x3FBA];
	_ =	sdelay $0x3  }
0x34: {  	[smem:$0x3FBA] =	sst s10  }
0x35: {  	s10 =	sld [smem:$0x3FB9];
	_ =	sdelay $0x3  }
0x36: {  	p1 =	seq.s32 s10, $0x1;
	s10 =	sld [smem:$0x3FBA];
	_ =	sdelay $0x3  }
0x37: {  	[smem:$0x3FBA] =	sst s10  }
0x38: {  	s10 =	sld [smem:$0x3FBB]  }
0x39: {  	_ = 	snop;
	(pc) =	sbr.ind lr, $3  }
0x3a: {  	_ = 	snop  }
0x3b: {  	_ = 	snop  }
0x3c: {  	p2 =	seq.s32 s10, $0x1;
	s10 =	sld [smem:$0x3FBA]  }
0x3d: {  	_ =	shalt  }
0x3e: {  	_ =	shalt  }
0x3f: {  	_ =	shalt  }
0x40: {  	_ =	shalt  }
0x41: {  	_ =	shalt  }
0x42: {  	_ =	shalt  }
0x43: {  	_ =	shalt  }
0x44: {  	_ =	shalt  }
0x45: {  	_ =	shalt  }
0x46: {  	_ =	shalt  }
0x47: {  	_ =	shalt  }
0x48: {  	_ =	shalt  }
0x49: {  	_ =	shalt  }
0x4a: {  	_ =	shalt  }
0x4b: {  	_ =	shalt  }
0x4c: {  	_ =	shalt  }
0x4d: {  	_ =	shalt  }
0x4e: {  	_ =	shalt  }
0x4f: {  	_ =	shalt  }
0x50: {  	_ =	shalt  }
0x51: {  	_ =	shalt  }
0x52: {  	_ =	shalt  }
0x53: {  	_ =	shalt  }
0x54: {  	_ =	shalt  }
0x55: {  	_ =	shalt  }
0x56: {  	_ =	shalt  }
0x57: {  	_ =	shalt  }
0x58: {  	_ =	shalt  }
0x59: {  	_ =	shalt  }
0x5a: {  	_ =	shalt  }
0x5b: {  	_ =	shalt  }
0x5c: {  	_ =	shalt  }
0x5d: {  	_ =	shalt  }
0x5e: {  	_ =	shalt  }
0x5f: {  	_ =	shalt  }
0x60: {  	_ =	shalt  }
0x61: {  	_ =	shalt  }
0x62: {  	_ =	shalt  }
0x63: {  	_ =	shalt  }
0x64: {  	_ =	shalt  }
0x65: {  	_ =	shalt  }
0x66: {  	_ =	shalt  }
0x67: {  	_ =	shalt  }
0x68: {  	_ =	shalt  }
0x69: {  	_ =	shalt  }
0x6a: {  	_ =	shalt  }
0x6b: {  	_ =	shalt  }
0x6c: {  	_ =	shalt  }
0x6d: {  	_ =	shalt  }
0x6e: {  	_ =	shalt  }
0x6f: {  	_ =	shalt  }
0x70: {  	_ =	shalt  }
0x71: {  	_ =	shalt  }
0x72: {  	_ =	shalt  }
0x73: {  	_ =	shalt  }
0x74: {  	_ =	shalt  }
0x75: {  	_ =	shalt  }
0x76: {  	_ =	shalt  }
0x77: {  	_ =	shalt  }
0x78: {  	_ =	shalt  }
0x79: {  	_ =	shalt  }
0x7a: {  	_ =	shalt  }
0x7b: {  	_ =	shalt  }
0x7c: {  	_ =	shalt  }
0x7d: {  	_ =	shalt  }
0x7e: {  	_ =	shalt  }
0x7f: {  	_ =	shalt  }
0x80: {  	_ =	shalt  }
0x81: {  	_ =	shalt  }
0x82: {  	_ =	shalt  }
0x83: {  	_ =	shalt  }
0x84: {  	_ =	shalt  }
0x85: {  	_ =	shalt  }
0x86: {  	_ =	shalt  }
0x87: {  	_ =	shalt  }
.Lfunc_end0:
.L_simem_size_0:
called_computation_lowered:
.L_overlay_start_0:
0x88: {  	s2 =	sld [smem:$0x3FD9]  }
0x89: {  	s3 =	sld [smem:$0x3FFE];
	_ =	sdelay $0x1  }
0x8a: {  	s1 =	srdreg.scid  }
0x8b: {  	s0 =	sand.u32 $0x1, s1  }
0x8c: {  	s17 =	sshll.u32 s0, $0xA;
	s2 =	sadd.s32 s3, s2  }
0x8d: {  	s2 =	sadd.s32 s2, s17  }
0x8e: {  	[smem:$0x3FC6] =	sst s2  }
0x8f: {  	_ = 	snop  }
0x90: {  	s2 =	sld [smem:$0x3FC9]  }
0x91: {  	s18 =	sld [smem:$0x3FC8];
	(tm) =	ssettm $0x1  }
0x92: {  	s4 =	sld [smem:$0x3FFB];
	_ =	sdelay $0x3  }
0x93: {  	_ =	strace s4  }
0x94: {  	s4 =	sld [smem:$0x3FFC];
	_ =	sdelay $0x3  }
0x95: {  	_ =	strace s4  }
0x96: {  	s4 =	sld [smem:$0x3FFD];
	_ =	sdelay $0x3  }
0x97: {  	_ =	strace s4  }
0x98: {  	_ =	strace $0x8FFFFFFF  }
0x99: {  	s19 =	sld [smem:$0x3FDB];
	_ =	sdelay $0x1  }
0x9a: {  	s5 =	simm.s32 $_scs_section_size  }
0x9b: {  	s6 =	simm.s32 $_size__tile_overlayer_lowered;
	s7 =	simm.s32 $_tile_overlayer_lowered  }
0x9c: {  	s22 =	simm.s32 $0x1BFF;
	s21 =	sshll.u32 s7, $0x1;
	s4 =	sadd.s32 s5, s19  }
0x9d: {  	s8 =	simm.s32 $0x0;
	s20 =	sshll.u32 s6, $0x1;
	s6 =	sadd.s32 s21, s4  }
0x9e: {  	[timem:s8], [sflag:s22] =	dma.local [hbm:s6], s20  }
0x9f: {  	_ =	swait.ge [sflag:s22], s20  }
0xa0: {  	s5 =	ssub.s32 $0x0, s20;
	[sflag:s22] =	ssyncset.done $0x0  }
0xa1: {  	[sflag:s22] =	ssyncadd.s32 s5;
	_ =	sdelay $0x1  }
0xa2: {  	s23 =	simm.s32 $0x1B8B  }
0xa3: {  	_ =	swait.ge [sflag:s23], $0x1  }
0xa4: {  	[sflag:s23] =	ssyncset.done $0x0  }
0xa5: {  	s25 =	simm.s32 $0x1B8E;
	s24 =	sld [smem:$0x3FFE];
	[sflag:s23] =	ssyncadd.s32 $0xFFFFFFFF  }
0xa6: {  	s26 =	simm.s32 $execute0_lowered;
	[smem:$0x3FD2] =	sst s25  }
0xa7: {  	s6 =	sshll.u32 s26, $0x1;
	_ =	strace $0x80000046;
	[dreg:$0x1] =	wrdreg $0xFFFFFFFF  }
0xa8: {  	s28 =	simm.s32 $_size_execute0_lowered;
	s4 =	sadd.s32 s4, s6;
	[dreg:$0x0] =	wrdreg $0x0  }
0xa9: {  	s6 =	sshll.u32 s28, $0x1;
	[dreg:$0x2] =	wrdreg s4  }
0xaa: {  	[dreg:$0x3] =	wrdreg s6  }
0xab: {  	[dreg:$0x4] =	wrdreg $0xC0  }
0xac: {  	_ =	task [dreg:s8], $0x5FFFF  }
0xad: {  	[dreg:$0x1] =	wrdreg $0xFFFFFFFF  }
0xae: {  	[dreg:$0x0] =	wrdreg $0x60  }
0xaf: {  	[dreg:$0x2] =	wrdreg s2  }
0xb0: {  	[dreg:$0x3] =	wrdreg s18  }
0xb1: {  	[dreg:$0x4] =	wrdreg s24  }
0xb2: {  	[dreg:$0x5] =	wrdreg $0x9  }
0xb3: {  	_ =	task.clear_ibuf [dreg:s8], $0x6FFFF;
	_ =	strace $0x90000046  }
0xb4: {  	s29 =	simm.s32 $0x9;
	_ =	strace $0x80000048  }
0xb5: {  	_ =	swait.ge [sflag:s29], $0x1  }
0xb6: {  	[sflag:s29] =	ssyncadd.s32 $0xFFFFFFFF  }
0xb7: {  	_ =	strace $0x90000048  }
0xb8: {  	_ =	sfence  }
0xb9: {  	s30 =	sld [smem:$0x0];
	_ =	sdelay $0x2  }
0xba: {  	s31 =	sshll.u32 s1, $0xD;
	s1 =	sshrl.u32 s1, $0x2  }
0xbb: {  	s3 =	sand.u32 $0x4000, s31;
	s1 =	sadd.s32 s1, s30  }
0xbc: {  	s0 =	sor.u32 s3, s0;
	s1 =	sshll.u32 s1, $0x11  }
0xbd: {  	s0 =	sor.u32 s1, s0  }
0xbe: {  	s0 =	sadd.s32 $0x8F2B, s0  }
0xbf: {  	[sflag:s0] =	ssyncadd.remote.s32 $0x1  }
0xc0: {  	_ =	sfence.sel $0xFFFF  }
0xc1: {  	[dreg:$0x0] =	wrdreg $0xFFFFFFFF;
	(pc) =	sbr.abs _section_cstart, $3  }
0xc2: {  	[dreg:$0x1] =	wrdreg $0xFFFFFFFF  }
0xc3: {  	_ =	task.clear_ibuf [dreg:s8], $0x2FFFF;
	_ =	strace $0x9FFFFFFF  }
0xc4: {  	(tm) =	ssettm $0x7FFFFFFF  }
0xc5: {  	_ =	shalt  }
tec
execute0_lowered:
.L_overlay_start_1:
0x0: {  	(tag) =	ssettag $0x1  }
0x1: {  	s0 =	srdreg.scid  }
0x2: {  	s1 =	rddreg [dreg:$0x0];
	s3 =	stileid.u32;
	s0 =	sand.u32 $0x1, s0  }
0x3: {  	s2 =	rddreg [dreg:$0x1];
	s3 =	sshll.u32 s3, $0x5;
	s4 =	sshll.u32 s0, $0x4  }
0x4: {  	s5 =	rddreg [dreg:$0x2];
	s4 =	sor.u32 s4, s3;
	s3 =	simm.s32 $0x0  }
0x5: {  	[smem:$0x7FF] =	sst s3;
	s1 =	sadd.s32 s1, s4  }
0x6: {  	s15 =	simm.s32 $0xA880;
	_ =	strace $0x80000047;
	[dreg:$0x4] =	wrdreg s1  }
0x7: {  	s16 =	simm.s32 $0xB080;
	[dreg:$0xc] =	wrdreg s15  }
0x8: {  	s17 =	simm.s32 $0xB880;
	[dreg:$0xd] =	wrdreg s16  }
0x9: {  	s18 =	simm.s32 $0xC080;
	[dreg:$0xe] =	wrdreg s17  }
0xa: {  	s19 =	simm.s32 $0xC880;
	[dreg:$0xf] =	wrdreg s18  }
0xb: {  	s20 =	simm.s32 $0xD080;
	[dreg:$0x10] =	wrdreg s19  }
0xc: {  	s21 =	simm.s32 $0xD880;
	[dreg:$0x11] =	wrdreg s20  }
0xd: {  	s22 =	simm.s32 $0xE080;
	[dreg:$0x12] =	wrdreg s21  }
0xe: {  	s23 =	simm.s32 $0xE880;
	[dreg:$0x13] =	wrdreg s22  }
0xf: {  	s24 =	simm.s32 $0xF880;
	[dreg:$0x14] =	wrdreg s23  }
0x10: {  	s25 =	simm.s32 $0x10080;
	[dreg:$0x15] =	wrdreg s24  }
0x11: {  	s26 =	simm.s32 $0x10880;
	[dreg:$0x16] =	wrdreg s25  }
0x12: {  	s28 =	simm.s32 $0x11080;
	[dreg:$0x17] =	wrdreg s26  }
0x13: {  	[dreg:$0x18] =	wrdreg s28;
	s15 =	simm.s32 $0x17080  }
0x14: {  	s16 =	simm.s32 $0x17880;
	[smem:$0x7F1] =	sst s15  }
0x15: {  	s17 =	simm.s32 $0x18080;
	[smem:$0x7F2] =	sst s16  }
0x16: {  	s18 =	simm.s32 $0x18880;
	[smem:$0x7F3] =	sst s17  }
0x17: {  	s19 =	simm.s32 $0x19880;
	[smem:$0x7F4] =	sst s18  }
0x18: {  	s29 =	simm.s32 $0x880;
	s20 =	simm.s32 $0x1A080;
	[smem:$0x7F5] =	sst s19  }
0x19: {  	s30 =	simm.s32 $0x1080;
	s21 =	simm.s32 $0x1A880;
	[smem:$0x7F6] =	sst s20  }
0x1a: {  	s31 =	simm.s32 $0x1880;
	s22 =	simm.s32 $0x1B080;
	[smem:$0x7F7] =	sst s21  }
0x1b: {  	s5 =	sadd.s32 $0x400, s5;
	s23 =	simm.s32 $0x1B880;
	[smem:$0x7F8] =	sst s22  }
0x1c: {  	s0 =	ssub.s32 $0x2, s0;
	s24 =	simm.s32 $0x1C080;
	[smem:$0x7F9] =	sst s23  }
0x1d: {  	s6 =	smul.u32 $0x500, s4;
	s25 =	simm.s32 $0x1C880;
	[smem:$0x7FA] =	sst s24  }
0x1e: {  	s7 =	smul.u32 $0x2800, s4;
	s26 =	simm.s32 $0x1D080;
	[smem:$0x7FB] =	sst s25  }
0x1f: {  	s28 =	simm.s32 $0x1D880;
	s6 =	sadd.s32 s5, s6;
	[smem:$0x7FC] =	sst s26  }
0x20: {  	s7 =	sshrl.u32 s7, $0x3;
	[smem:$0x7FD] =	sst s28;
	s22 =	simm.s32 $0x1  }
0x21: {  	s15 =	simm.s32 $0x2;
	[smem:$0x7ED] =	sst s6;
	s8 =	sadd.s32 $0xA00, s6  }
0x22: {  	s4 =	sadd.s32 s5, s7;
	s5 =	simm.s32 $0x12080;
	[dreg:$0x5] =	wrdreg s8  }
0x23: {  	s16 =	simm.s32 $0x8;
	s7 =	simm.s32 $0x12880;
	[dreg:$0x1a] =	wrdreg s5  }
0x24: {  	s21 =	simm.s32 $0x80;
	s9 =	sadd.s32 $0x1400, s4;
	[dreg:$0x1b] =	wrdreg s7  }
0x25: {  	s18 =	simm.s32 $0x2080;
	s10 =	sadd.s32 $0x1E00, s4;
	[dreg:$0x6] =	wrdreg s9  }
0x26: {  	s19 =	simm.s32 $0x3080;
	s11 =	sadd.s32 $0x2800, s4;
	[dreg:$0x7] =	wrdreg s10  }
0x27: {  	s17 =	simm.s32 $0x4880;
	s12 =	sadd.s32 $0x3200, s4;
	[dreg:$0x8] =	wrdreg s11  }
0x28: {  	s23 =	simm.s32 $0x7880;
	s13 =	sadd.s32 $0x3C00, s4;
	[dreg:$0x9] =	wrdreg s12  }
0x29: {  	s24 =	simm.s32 $0x8080;
	s14 =	sadd.s32 $0x4600, s4;
	[dreg:$0xa] =	wrdreg s13  }
0x2a: {  	s25 =	simm.s32 $0x8880;
	s4 =	simm.s32 $0x11880;
	[dreg:$0xb] =	wrdreg s14  }
0x2b: {  	s20 =	simm.s32 $0xA080;
	s8 =	simm.s32 $0x13080;
	[dreg:$0x19] =	wrdreg s4  }
0x2c: {  	s6 =	sshrl.u32 s0, $0x1;
	[dreg:$0x1c] =	wrdreg s8;
	s9 =	simm.s32 $0x13880  }
0x2d: {  	s0 =	ssub.s32 s0, s6;
	s10 =	simm.s32 $0x14880;
	[dreg:$0x1d] =	wrdreg s9  }
0x2e: {  	s5 =	sadd.s32 $0x100, s2;
	s11 =	simm.s32 $0x15080;
	[dreg:$0x1e] =	wrdreg s10  }
0x2f: {  	s6 =	sadd.s32 $0x200, s2;
	s12 =	simm.s32 $0x15880;
	[dreg:$0x1f] =	wrdreg s11  }
0x30: {  	s7 =	sadd.s32 $0x300, s2;
	s13 =	simm.s32 $0x16080;
	[smem:$0x7EE] =	sst s12  }
0x31: {  	v2 =	vlaneseq.u32;
	s8 =	sadd.s32 $0x400, s2;
	s14 =	simm.s32 $0x16880;
	[smem:$0x7EF] =	sst s13  }
0x32: {  	vm0 =	vmmov $0xffff;
	v1 =	vshrl.u32 v2, $0x3;
	s9 =	smax.u32 s0, $0x1;
	[smem:$0x7F0] =	sst s14;
	s14 =	simm.s32 $0x7  }
0x33: {  	v0 =	vand.u32 $0x7, v2;
	v2 =	vor.u32 $0x8, v2;
	v1 =	vmul.u32 $0x8, v1;
	s11 =	simm.s32 $0x2880;
	s12 =	simm.s32 $0x3880;
	s13 =	simm.s32 $0x19080  }
.LBB2_1:
0x34: {  	s26 =	rddreg [dreg:$0x4];
	s0 =	simm.s32 $0xD  }
0x35: {  	[tilespmem:s3], [sflag:$0xD] =	stream.linear.gather [hbm4b:s26+s3], $0x80, $0x38;
	[tilespmem:$0x1E080] =	vst v63  }
0x36: {  	_ =	swait.ge [sflag:s0], $0x80  }
0x37: {  	[sflag:s0] =	ssyncset.done $0x0  }
0x38: {  	[sflag:s0] =	ssyncadd.s32 $0xFFFFFF80  }
0x39: {  	v3 =	vld [tilespmem:$0x0];
	_ =	sdelay $0x4  }
0x3a: {  	v4 =	vshrl.u32 v3, $0x3  }
0x3b: {  	v4 =	vmul.u32 $0x50, v4  }
0x3c: {  	v3 =	vand.u32 $0x7, v3  }
0x3d: {  	v3 =	vor.u32 v3, v4  }
0x3e: {  	v4 =	vperm.xlane v3, v0;
	_ =	sdelay $0x1  }
0x3f: {  	v4 =	vadd.s32 v1, v4;
	_ =	sdelay $0x4  }
0x40: {  	[tilespmem:s21], [sflag:$0x1] =	stream.indirect_vreg.gather [hbm4b:s2+s3], $0x80, v4, vm0, $0xb8;
	[tilespmem:$0x1E080] =	vst v63  }
0x41: {  	_ = 	snop  }
0x42: {  	[tilespmem:s29], [sflag:$0x1] =	stream.indirect_vreg.gather [hbm4b:s5+s3], $0x80, v4, vm0, $0xb8;
	[tilespmem:$0x1E080] =	vst v63  }
0x43: {  	v3 =	vperm.xlane v3, v2  }
0x44: {  	[tilespmem:s30], [sflag:$0x1] =	stream.indirect_vreg.gather [hbm4b:s6+s3], $0x80, v4, vm0, $0xb8;
	[tilespmem:$0x1E080] =	vst v63  }
0x45: {  	v3 =	vadd.s32 v1, v3  }
0x46: {  	[tilespmem:s31], [sflag:$0x1] =	stream.indirect_vreg.gather [hbm4b:s7+s3], $0x80, v4, vm0, $0xb8;
	[tilespmem:$0x1E080] =	vst v63  }
0x47: {  	_ = 	snop  }
0x48: {  	[tilespmem:s18], [sflag:$0x1] =	stream.indirect_vreg.gather [hbm4b:s8+s3], $0x80, v4, vm0, $0xb8;
	[tilespmem:$0x1E080] =	vst v63  }
0x49: {  	_ = 	snop  }
0x4a: {  	[tilespmem:s11], [sflag:$0x1] =	stream.indirect_vreg.gather [hbm4b:s2+s3], $0x80, v3, vm0, $0xb8;
	[tilespmem:$0x1E080] =	vst v63  }
0x4b: {  	_ = 	snop  }
0x4c: {  	[tilespmem:s19], [sflag:$0x1] =	stream.indirect_vreg.gather [hbm4b:s5+s3], $0x80, v3, vm0, $0xb8;
	[tilespmem:$0x1E080] =	vst v63  }
0x4d: {  	_ = 	snop  }
0x4e: {  	[tilespmem:s12], [sflag:$0x1] =	stream.indirect_vreg.gather [hbm4b:s6+s3], $0x80, v3, vm0, $0xb8;
	[tilespmem:$0x1E080] =	vst v63  }
0x4f: {  	s10 =	simm.s32 $0x4080  }
0x50: {  	[tilespmem:s10], [sflag:$0x1] =	stream.indirect_vreg.gather [hbm4b:s7+s3], $0x80, v3, vm0, $0xb8;
	[tilespmem:$0x1E080] =	vst v63  }
0x51: {  	_ = 	snop  }
0x52: {  	[tilespmem:s17], [sflag:$0x1] =	stream.indirect_vreg.gather [hbm4b:s8+s3], $0x80, v3, vm0, $0xb8;
	[tilespmem:$0x1E080] =	vst v63  }
0x53: {  	v3 =	vld [tilespmem:$0x10];
	_ =	sdelay $0x4  }
0x54: {  	v57 =	vshrl.u32 v3, $0x3  }
0x55: {  	v4 =	vmul.u32 $0x50, v57  }
0x56: {  	v3 =	vand.u32 $0x7, v3  }
0x57: {  	v3 =	vor.u32 v3, v4  }
0x58: {  	v4 =	vperm.xlane v3, v0;
	_ =	sdelay $0x1  }
0x59: {  	v4 =	vadd.s32 v1, v4;
	_ =	sdelay $0x3  }
0x5a: {  	s0 =	simm.s32 $0x5080  }
0x5b: {  	[tilespmem:s0], [sflag:$0x2] =	stream.indirect_vreg.gather [hbm4b:s2+s3], $0x80, v4, vm0, $0xb8;
	[tilespmem:$0x1E080] =	vst v63  }
0x5c: {  	s1 =	simm.s32 $0x5880  }
0x5d: {  	[tilespmem:s1], [sflag:$0x2] =	stream.indirect_vreg.gather [hbm4b:s5+s3], $0x80, v4, vm0, $0xb8;
	[tilespmem:$0x1E080] =	vst v63  }
0x5e: {  	s26 =	simm.s32 $0x6080;
	v3 =	vperm.xlane v3, v2  }
0x5f: {  	[tilespmem:s26], [sflag:$0x2] =	stream.indirect_vreg.gather [hbm4b:s6+s3], $0x80, v4, vm0, $0xb8;
	[tilespmem:$0x1E080] =	vst v63  }
0x60: {  	s28 =	simm.s32 $0x6880;
	v3 =	vadd.s32 v1, v3  }
0x61: {  	[tilespmem:s28], [sflag:$0x2] =	stream.indirect_vreg.gather [hbm4b:s7+s3], $0x80, v4, vm0, $0xb8;
	[tilespmem:$0x1E080] =	vst v63  }
0x62: {  	s4 =	simm.s32 $0x7080  }
0x63: {  	[tilespmem:s4], [sflag:$0x2] =	stream.indirect_vreg.gather [hbm4b:s8+s3], $0x80, v4, vm0, $0xb8;
	[tilespmem:$0x1E080] =	vst v63  }
0x64: {  	_ = 	snop  }
0x65: {  	[tilespmem:s23], [sflag:$0x2] =	stream.indirect_vreg.gather [hbm4b:s2+s3], $0x80, v3, vm0, $0xb8;
	[tilespmem:$0x1E080] =	vst v63  }
0x66: {  	_ = 	snop  }
0x67: {  	[tilespmem:s24], [sflag:$0x2] =	stream.indirect_vreg.gather [hbm4b:s5+s3], $0x80, v3, vm0, $0xb8;
	[tilespmem:$0x1E080] =	vst v63  }
0x68: {  	_ = 	snop  }
0x69: {  	[tilespmem:s25], [sflag:$0x2] =	stream.indirect_vreg.gather [hbm4b:s6+s3], $0x80, v3, vm0, $0xb8;
	[tilespmem:$0x1E080] =	vst v63  }
0x6a: {  	s26 =	simm.s32 $0x9080  }
0x6b: {  	[tilespmem:s26], [sflag:$0x2] =	stream.indirect_vreg.gather [hbm4b:s7+s3], $0x80, v3, vm0, $0xb8;
	[tilespmem:$0x1E080] =	vst v63  }
0x6c: {  	s28 =	simm.s32 $0x9880  }
0x6d: {  	[tilespmem:s28], [sflag:$0x2] =	stream.indirect_vreg.gather [hbm4b:s8+s3], $0x80, v3, vm0, $0xb8;
	[tilespmem:$0x1E080] =	vst v63  }
0x6e: {  	v3 =	vld [tilespmem:$0x20];
	_ =	sdelay $0x4  }
0x6f: {  	v58 =	vshrl.u32 v3, $0x3  }
0x70: {  	v4 =	vmul.u32 $0x50, v58  }
0x71: {  	v3 =	vand.u32 $0x7, v3  }
0x72: {  	v3 =	vor.u32 v3, v4  }
0x73: {  	v4 =	vperm.xlane v3, v0;
	_ =	sdelay $0x1  }
0x74: {  	v4 =	vadd.s32 v1, v4;
	_ =	sdelay $0x4  }
0x75: {  	[tilespmem:s20], [sflag:$0x3] =	stream.indirect_vreg.gather [hbm4b:s2+s3], $0x80, v4, vm0, $0xb8;
	[tilespmem:$0x1E080] =	vst v63  }
0x76: {  	s1 =	rddreg [dreg:$0xc]  }
0x77: {  	[tilespmem:s1], [sflag:$0x3] =	stream.indirect_vreg.gather [hbm4b:s5+s3], $0x80, v4, vm0, $0xb8;
	[tilespmem:$0x1E080] =	vst v63  }
0x78: {  	s28 =	rddreg [dreg:$0xd];
	v3 =	vperm.xlane v3, v2  }
0x79: {  	[tilespmem:s28], [sflag:$0x3] =	stream.indirect_vreg.gather [hbm4b:s6+s3], $0x80, v4, vm0, $0xb8;
	[tilespmem:$0x1E080] =	vst v63  }
0x7a: {  	s4 =	rddreg [dreg:$0xe];
	v3 =	vadd.s32 v1, v3  }
0x7b: {  	[tilespmem:s4], [sflag:$0x3] =	stream.indirect_vreg.gather [hbm4b:s7+s3], $0x80, v4, vm0, $0xb8;
	[tilespmem:$0x1E080] =	vst v63  }
0x7c: {  	s1 =	rddreg [dreg:$0xf]  }
0x7d: {  	[tilespmem:s1], [sflag:$0x3] =	stream.indirect_vreg.gather [hbm4b:s8+s3], $0x80, v4, vm0, $0xb8;
	[tilespmem:$0x1E080] =	vst v63  }
0x7e: {  	s4 =	rddreg [dreg:$0x10]  }
0x7f: {  	[tilespmem:s4], [sflag:$0x3] =	stream.indirect_vreg.gather [hbm4b:s2+s3], $0x80, v3, vm0, $0xb8;
	[tilespmem:$0x1E080] =	vst v63  }
0x80: {  	s1 =	rddreg [dreg:$0x11]  }
0x81: {  	[tilespmem:s1], [sflag:$0x3] =	stream.indirect_vreg.gather [hbm4b:s5+s3], $0x80, v3, vm0, $0xb8;
	[tilespmem:$0x1E080] =	vst v63  }
0x82: {  	s4 =	rddreg [dreg:$0x12]  }
0x83: {  	[tilespmem:s4], [sflag:$0x3] =	stream.indirect_vreg.gather [hbm4b:s6+s3], $0x80, v3, vm0, $0xb8;
	[tilespmem:$0x1E080] =	vst v63  }
0x84: {  	s1 =	rddreg [dreg:$0x13]  }
0x85: {  	[tilespmem:s1], [sflag:$0x3] =	stream.indirect_vreg.gather [hbm4b:s7+s3], $0x80, v3, vm0, $0xb8;
	[tilespmem:$0x1E080] =	vst v63  }
0x86: {  	s4 =	rddreg [dreg:$0x14]  }
0x87: {  	[tilespmem:s4], [sflag:$0x3] =	stream.indirect_vreg.gather [hbm4b:s8+s3], $0x80, v3, vm0, $0xb8;
	[tilespmem:$0x1E080] =	vst v63  }
0x88: {  	v3 =	vld [tilespmem:$0x30];
	_ =	sdelay $0x4  }
0x89: {  	v59 =	vshrl.u32 v3, $0x3  }
0x8a: {  	v4 =	vmul.u32 $0x50, v59  }
0x8b: {  	v3 =	vand.u32 $0x7, v3  }
0x8c: {  	v3 =	vor.u32 v3, v4  }
0x8d: {  	v4 =	vperm.xlane v3, v0;
	_ =	sdelay $0x1  }
0x8e: {  	v4 =	vadd.s32 v1, v4;
	_ =	sdelay $0x3  }
0x8f: {  	s4 =	simm.s32 $0xF080  }
0x90: {  	[tilespmem:s4], [sflag:$0x4] =	stream.indirect_vreg.gather [hbm4b:s2+s3], $0x80, v4, vm0, $0xb8;
	[tilespmem:$0x1E080] =	vst v63  }
0x91: {  	s1 =	rddreg [dreg:$0x15]  }
0x92: {  	[tilespmem:s1], [sflag:$0x4] =	stream.indirect_vreg.gather [hbm4b:s5+s3], $0x80, v4, vm0, $0xb8;
	[tilespmem:$0x1E080] =	vst v63  }
0x93: {  	s28 =	rddreg [dreg:$0x16];
	v3 =	vperm.xlane v3, v2  }
0x94: {  	[tilespmem:s28], [sflag:$0x4] =	stream.indirect_vreg.gather [hbm4b:s6+s3], $0x80, v4, vm0, $0xb8;
	[tilespmem:$0x1E080] =	vst v63  }
0x95: {  	v3 =	vadd.s32 v1, v3;
	s1 =	rddreg [dreg:$0x17]  }
0x96: {  	[tilespmem:s1], [sflag:$0x4] =	stream.indirect_vreg.gather [hbm4b:s7+s3], $0x80, v4, vm0, $0xb8;
	[tilespmem:$0x1E080] =	vst v63  }
0x97: {  	s28 =	rddreg [dreg:$0x18]  }
0x98: {  	[tilespmem:s28], [sflag:$0x4] =	stream.indirect_vreg.gather [hbm4b:s8+s3], $0x80, v4, vm0, $0xb8;
	[tilespmem:$0x1E080] =	vst v63  }
0x99: {  	s1 =	rddreg [dreg:$0x19]  }
0x9a: {  	[tilespmem:s1], [sflag:$0x4] =	stream.indirect_vreg.gather [hbm4b:s2+s3], $0x80, v3, vm0, $0xb8;
	[tilespmem:$0x1E080] =	vst v63  }
0x9b: {  	s28 =	rddreg [dreg:$0x1a]  }
0x9c: {  	[tilespmem:s28], [sflag:$0x4] =	stream.indirect_vreg.gather [hbm4b:s5+s3], $0x80, v3, vm0, $0xb8;
	[tilespmem:$0x1E080] =	vst v63  }
0x9d: {  	s1 =	rddreg [dreg:$0x1b]  }
0x9e: {  	[tilespmem:s1], [sflag:$0x4] =	stream.indirect_vreg.gather [hbm4b:s6+s3], $0x80, v3, vm0, $0xb8;
	[tilespmem:$0x1E080] =	vst v63  }
0x9f: {  	s28 =	rddreg [dreg:$0x1c]  }
0xa0: {  	[tilespmem:s28], [sflag:$0x4] =	stream.indirect_vreg.gather [hbm4b:s7+s3], $0x80, v3, vm0, $0xb8;
	[tilespmem:$0x1E080] =	vst v63  }
0xa1: {  	s1 =	rddreg [dreg:$0x1d]  }
0xa2: {  	[tilespmem:s1], [sflag:$0x4] =	stream.indirect_vreg.gather [hbm4b:s8+s3], $0x80, v3, vm0, $0xb8;
	[tilespmem:$0x1E080] =	vst v63  }
0xa3: {  	v3 =	vld [tilespmem:$0x40];
	_ =	sdelay $0x4  }
0xa4: {  	v60 =	vshrl.u32 v3, $0x3  }
0xa5: {  	v4 =	vmul.u32 $0x50, v60  }
0xa6: {  	v3 =	vand.u32 $0x7, v3  }
0xa7: {  	v3 =	vor.u32 v3, v4  }
0xa8: {  	v4 =	vperm.xlane v3, v0;
	_ =	sdelay $0x1  }
0xa9: {  	v4 =	vadd.s32 v1, v4;
	_ =	sdelay $0x3  }
0xaa: {  	s26 =	rddreg [dreg:$0x1e];
	s1 =	simm.s32 $0x14080  }
0xab: {  	[tilespmem:s1], [sflag:$0x5] =	stream.indirect_vreg.gather [hbm4b:s2+s3], $0x80, v4, vm0, $0xb8;
	[tilespmem:$0x1E080] =	vst v63  }
0xac: {  	s28 =	rddreg [dreg:$0x1f]  }
0xad: {  	[tilespmem:s26], [sflag:$0x5] =	stream.indirect_vreg.gather [hbm4b:s5+s3], $0x80, v4, vm0, $0xb8;
	[tilespmem:$0x1E080] =	vst v63  }
0xae: {  	v3 =	vperm.xlane v3, v2;
	s26 =	sld [smem:$0x7EE]  }
0xaf: {  	[tilespmem:s28], [sflag:$0x5] =	stream.indirect_vreg.gather [hbm4b:s6+s3], $0x80, v4, vm0, $0xb8;
	[tilespmem:$0x1E080] =	vst v63  }
0xb0: {  	v3 =	vadd.s32 v1, v3;
	s28 =	sld [smem:$0x7EF]  }
0xb1: {  	[tilespmem:s26], [sflag:$0x5] =	stream.indirect_vreg.gather [hbm4b:s7+s3], $0x80, v4, vm0, $0xb8;
	[tilespmem:$0x1E080] =	vst v63  }
0xb2: {  	s26 =	sld [smem:$0x7F0]  }
0xb3: {  	[tilespmem:s28], [sflag:$0x5] =	stream.indirect_vreg.gather [hbm4b:s8+s3], $0x80, v4, vm0, $0xb8;
	[tilespmem:$0x1E080] =	vst v63  }
0xb4: {  	s28 =	sld [smem:$0x7F1]  }
0xb5: {  	[tilespmem:s26], [sflag:$0x5] =	stream.indirect_vreg.gather [hbm4b:s2+s3], $0x80, v3, vm0, $0xb8;
	[tilespmem:$0x1E080] =	vst v63  }
0xb6: {  	s26 =	sld [smem:$0x7F2]  }
0xb7: {  	[tilespmem:s28], [sflag:$0x5] =	stream.indirect_vreg.gather [hbm4b:s5+s3], $0x80, v3, vm0, $0xb8;
	[tilespmem:$0x1E080] =	vst v63  }
0xb8: {  	s28 =	sld [smem:$0x7F3]  }
0xb9: {  	[tilespmem:s26], [sflag:$0x5] =	stream.indirect_vreg.gather [hbm4b:s6+s3], $0x80, v3, vm0, $0xb8;
	[tilespmem:$0x1E080] =	vst v63  }
0xba: {  	s26 =	sld [smem:$0x7F4]  }
0xbb: {  	[tilespmem:s28], [sflag:$0x5] =	stream.indirect_vreg.gather [hbm4b:s7+s3], $0x80, v3, vm0, $0xb8;
	[tilespmem:$0x1E080] =	vst v63  }
0xbc: {  	_ = 	snop  }
0xbd: {  	[tilespmem:s26], [sflag:$0x5] =	stream.indirect_vreg.gather [hbm4b:s8+s3], $0x80, v3, vm0, $0xb8;
	[tilespmem:$0x1E080] =	vst v63  }
0xbe: {  	v3 =	vld [tilespmem:$0x50];
	_ =	sdelay $0x4  }
0xbf: {  	v61 =	vshrl.u32 v3, $0x3  }
0xc0: {  	v4 =	vmul.u32 $0x50, v61  }
0xc1: {  	v3 =	vand.u32 $0x7, v3  }
0xc2: {  	v3 =	vor.u32 v3, v4  }
0xc3: {  	v4 =	vperm.xlane v3, v0;
	_ =	sdelay $0x1  }
0xc4: {  	v4 =	vadd.s32 v1, v4;
	_ =	sdelay $0x3  }
0xc5: {  	s26 =	sld [smem:$0x7F5]  }
0xc6: {  	[tilespmem:s13], [sflag:$0x6] =	stream.indirect_vreg.gather [hbm4b:s2+s3], $0x80, v4, vm0, $0xb8;
	[tilespmem:$0x1E080] =	vst v63  }
0xc7: {  	s28 =	sld [smem:$0x7F6]  }
0xc8: {  	[tilespmem:s26], [sflag:$0x6] =	stream.indirect_vreg.gather [hbm4b:s5+s3], $0x80, v4, vm0, $0xb8;
	[tilespmem:$0x1E080] =	vst v63  }
0xc9: {  	v3 =	vperm.xlane v3, v2;
	s26 =	sld [smem:$0x7F7]  }
0xca: {  	[tilespmem:s28], [sflag:$0x6] =	stream.indirect_vreg.gather [hbm4b:s6+s3], $0x80, v4, vm0, $0xb8;
	[tilespmem:$0x1E080] =	vst v63  }
0xcb: {  	v3 =	vadd.s32 v1, v3;
	s28 =	sld [smem:$0x7F8]  }
0xcc: {  	[tilespmem:s26], [sflag:$0x6] =	stream.indirect_vreg.gather [hbm4b:s7+s3], $0x80, v4, vm0, $0xb8;
	[tilespmem:$0x1E080] =	vst v63  }
0xcd: {  	s26 =	sld [smem:$0x7F9]  }
0xce: {  	[tilespmem:s28], [sflag:$0x6] =	stream.indirect_vreg.gather [hbm4b:s8+s3], $0x80, v4, vm0, $0xb8;
	[tilespmem:$0x1E080] =	vst v63  }
0xcf: {  	s28 =	sld [smem:$0x7FA]  }
0xd0: {  	[tilespmem:s26], [sflag:$0x6] =	stream.indirect_vreg.gather [hbm4b:s2+s3], $0x80, v3, vm0, $0xb8;
	[tilespmem:$0x1E080] =	vst v63  }
0xd1: {  	s26 =	sld [smem:$0x7FB]  }
0xd2: {  	[tilespmem:s28], [sflag:$0x6] =	stream.indirect_vreg.gather [hbm4b:s5+s3], $0x80, v3, vm0, $0xb8;
	[tilespmem:$0x1E080] =	vst v63  }
0xd3: {  	s28 =	sld [smem:$0x7FC]  }
0xd4: {  	[tilespmem:s26], [sflag:$0x6] =	stream.indirect_vreg.gather [hbm4b:s6+s3], $0x80, v3, vm0, $0xb8;
	[tilespmem:$0x1E080] =	vst v63  }
0xd5: {  	s26 =	sld [smem:$0x7FD]  }
0xd6: {  	[tilespmem:s28], [sflag:$0x6] =	stream.indirect_vreg.gather [hbm4b:s7+s3], $0x80, v3, vm0, $0xb8;
	[tilespmem:$0x1E080] =	vst v63  }
0xd7: {  	_ = 	snop  }
0xd8: {  	[tilespmem:s26], [sflag:$0x6] =	stream.indirect_vreg.gather [hbm4b:s8+s3], $0x80, v3, vm0, $0xb8;
	[tilespmem:$0x1E080] =	vst v63  }
0xd9: {  	_ =	swait.ge [sflag:s22], $0x5000  }
0xda: {  	s28 =	sld [smem:$0x7ED]  }
0xdb: {  	[sflag:s22] =	ssyncset.done $0x0  }
0xdc: {  	[sflag:s22] =	ssyncadd.s32 $0xFFFFB000  }
0xdd: {  	[hbm4b:s28+s3] =	stream.linear.scatter [tilespmem:s21], [sflag:$0x7], $0x5000, $0x38;
	[tilespmem:$0x1E080] =	vst v63  }
0xde: {  	_ =	swait.ge [sflag:s14], $0x5000  }
0xdf: {  	[sflag:s14] =	ssyncset.done $0x0  }
0xe0: {  	[sflag:s14] =	ssyncadd.s32 $0xFFFFB000  }
0xe1: {  	v3 =	vld [tilespmem:$0x60];
	_ =	sdelay $0x4  }
0xe2: {  	v62 =	vshrl.u32 v3, $0x3  }
0xe3: {  	v4 =	vmul.u32 $0x50, v62  }
0xe4: {  	v3 =	vand.u32 $0x7, v3  }
0xe5: {  	v3 =	vor.u32 v3, v4  }
0xe6: {  	v4 =	vperm.xlane v3, v0;
	_ =	sdelay $0x1  }
0xe7: {  	v4 =	vadd.s32 v1, v4;
	_ =	sdelay $0x4  }
0xe8: {  	[tilespmem:s21], [sflag:$0x1] =	stream.indirect_vreg.gather [hbm4b:s2+s3], $0x80, v4, vm0, $0xb8;
	[tilespmem:$0x1E080] =	vst v63  }
0xe9: {  	_ = 	snop  }
0xea: {  	[tilespmem:s29], [sflag:$0x1] =	stream.indirect_vreg.gather [hbm4b:s5+s3], $0x80, v4, vm0, $0xb8;
	[tilespmem:$0x1E080] =	vst v63  }
0xeb: {  	v3 =	vperm.xlane v3, v2  }
0xec: {  	[tilespmem:s30], [sflag:$0x1] =	stream.indirect_vreg.gather [hbm4b:s6+s3], $0x80, v4, vm0, $0xb8;
	[tilespmem:$0x1E080] =	vst v63  }
0xed: {  	v3 =	vadd.s32 v1, v3  }
0xee: {  	[tilespmem:s31], [sflag:$0x1] =	stream.indirect_vreg.gather [hbm4b:s7+s3], $0x80, v4, vm0, $0xb8;
	[tilespmem:$0x1E080] =	vst v63  }
0xef: {  	_ = 	snop  }
0xf0: {  	[tilespmem:s18], [sflag:$0x1] =	stream.indirect_vreg.gather [hbm4b:s8+s3], $0x80, v4, vm0, $0xb8;
	[tilespmem:$0x1E080] =	vst v63  }
0xf1: {  	_ = 	snop  }
0xf2: {  	[tilespmem:s11], [sflag:$0x1] =	stream.indirect_vreg.gather [hbm4b:s2+s3], $0x80, v3, vm0, $0xb8;
	[tilespmem:$0x1E080] =	vst v63  }
0xf3: {  	_ = 	snop  }
0xf4: {  	[tilespmem:s19], [sflag:$0x1] =	stream.indirect_vreg.gather [hbm4b:s5+s3], $0x80, v3, vm0, $0xb8;
	[tilespmem:$0x1E080] =	vst v63  }
0xf5: {  	_ = 	snop  }
0xf6: {  	[tilespmem:s12], [sflag:$0x1] =	stream.indirect_vreg.gather [hbm4b:s6+s3], $0x80, v3, vm0, $0xb8;
	[tilespmem:$0x1E080] =	vst v63  }
0xf7: {  	_ = 	snop  }
0xf8: {  	[tilespmem:s10], [sflag:$0x1] =	stream.indirect_vreg.gather [hbm4b:s7+s3], $0x80, v3, vm0, $0xb8;
	[tilespmem:$0x1E080] =	vst v63  }
0xf9: {  	_ = 	snop  }
0xfa: {  	[tilespmem:s17], [sflag:$0x1] =	stream.indirect_vreg.gather [hbm4b:s8+s3], $0x80, v3, vm0, $0xb8;
	[tilespmem:$0x1E080] =	vst v63  }
0xfb: {  	_ =	swait.ge [sflag:s15], $0x5000  }
0xfc: {  	[sflag:s15] =	ssyncset.done $0x0  }
0xfd: {  	s10 =	rddreg [dreg:$0x5];
	[sflag:s15] =	ssyncadd.s32 $0xFFFFB000  }
0xfe: {  	[hbm4b:s10+s3] =	stream.linear.scatter [tilespmem:s0], [sflag:$0x8], $0x5000, $0x38;
	[tilespmem:$0x1E080] =	vst v63  }
0xff: {  	_ =	swait.ge [sflag:s16], $0x5000  }
0x100: {  	[sflag:s16] =	ssyncset.done $0x0  }
0x101: {  	[sflag:s16] =	ssyncadd.s32 $0xFFFFB000  }
0x102: {  	v3 =	vld [tilespmem:$0x70];
	_ =	sdelay $0x4  }
0x103: {  	v63 =	vshrl.u32 v3, $0x3  }
0x104: {  	v4 =	vmul.u32 $0x50, v63  }
0x105: {  	v3 =	vand.u32 $0x7, v3  }
0x106: {  	v3 =	vor.u32 v3, v4  }
0x107: {  	v4 =	vperm.xlane v3, v0;
	_ =	sdelay $0x1  }
0x108: {  	v4 =	vadd.s32 v1, v4;
	_ =	sdelay $0x4  }
0x109: {  	[tilespmem:s0], [sflag:$0x2] =	stream.indirect_vreg.gather [hbm4b:s2+s3], $0x80, v4, vm0, $0xb8;
	[tilespmem:$0x1E080] =	vst v63  }
0x10a: {  	s26 =	simm.s32 $0x5880  }
0x10b: {  	[tilespmem:s26], [sflag:$0x2] =	stream.indirect_vreg.gather [hbm4b:s5+s3], $0x80, v4, vm0, $0xb8;
	[tilespmem:$0x1E080] =	vst v63  }
0x10c: {  	s28 =	simm.s32 $0x6080;
	v3 =	vperm.xlane v3, v2  }
0x10d: {  	[tilespmem:s28], [sflag:$0x2] =	stream.indirect_vreg.gather [hbm4b:s6+s3], $0x80, v4, vm0, $0xb8;
	[tilespmem:$0x1E080] =	vst v63  }
0x10e: {  	v3 =	vadd.s32 v1, v3;
	s26 =	simm.s32 $0x6880  }
0x10f: {  	[tilespmem:s26], [sflag:$0x2] =	stream.indirect_vreg.gather [hbm4b:s7+s3], $0x80, v4, vm0, $0xb8;
	[tilespmem:$0x1E080] =	vst v63  }
0x110: {  	s28 =	simm.s32 $0x7080  }
0x111: {  	[tilespmem:s28], [sflag:$0x2] =	stream.indirect_vreg.gather [hbm4b:s8+s3], $0x80, v4, vm0, $0xb8;
	[tilespmem:$0x1E080] =	vst v63  }
0x112: {  	_ = 	snop  }
0x113: {  	[tilespmem:s23], [sflag:$0x2] =	stream.indirect_vreg.gather [hbm4b:s2+s3], $0x80, v3, vm0, $0xb8;
	[tilespmem:$0x1E080] =	vst v63  }
0x114: {  	_ = 	snop  }
0x115: {  	[tilespmem:s24], [sflag:$0x2] =	stream.indirect_vreg.gather [hbm4b:s5+s3], $0x80, v3, vm0, $0xb8;
	[tilespmem:$0x1E080] =	vst v63  }
0x116: {  	_ = 	snop  }
0x117: {  	[tilespmem:s25], [sflag:$0x2] =	stream.indirect_vreg.gather [hbm4b:s6+s3], $0x80, v3, vm0, $0xb8;
	[tilespmem:$0x1E080] =	vst v63  }
0x118: {  	s26 =	simm.s32 $0x9080  }
0x119: {  	[tilespmem:s26], [sflag:$0x2] =	stream.indirect_vreg.gather [hbm4b:s7+s3], $0x80, v3, vm0, $0xb8;
	[tilespmem:$0x1E080] =	vst v63  }
0x11a: {  	s28 =	simm.s32 $0x9880;
	s26 =	simm.s32 $0x3  }
0x11b: {  	[tilespmem:s28], [sflag:$0x2] =	stream.indirect_vreg.gather [hbm4b:s8+s3], $0x80, v3, vm0, $0xb8;
	[tilespmem:$0x1E080] =	vst v63  }
0x11c: {  	_ =	swait.ge [sflag:s26], $0x5000  }
0x11d: {  	[sflag:s26] =	ssyncset.done $0x0  }
0x11e: {  	s28 =	rddreg [dreg:$0x6];
	[sflag:s26] =	ssyncadd.s32 $0xFFFFB000;
	s26 =	simm.s32 $0x4  }
0x11f: {  	[hbm4b:s28+s3] =	stream.linear.scatter [tilespmem:s20], [sflag:$0x9], $0x5000, $0x38;
	[tilespmem:$0x1E080] =	vst v63  }
0x120: {  	_ =	swait.ge [sflag:s26], $0x5000  }
0x121: {  	[sflag:s26] =	ssyncset.done $0x0  }
0x122: {  	s28 =	rddreg [dreg:$0x7];
	[sflag:s26] =	ssyncadd.s32 $0xFFFFB000;
	s26 =	simm.s32 $0x5  }
0x123: {  	[hbm4b:s28+s3] =	stream.linear.scatter [tilespmem:s4], [sflag:$0xA], $0x5000, $0x38;
	[tilespmem:$0x1E080] =	vst v63  }
0x124: {  	_ =	swait.ge [sflag:s26], $0x5000  }
0x125: {  	[sflag:s26] =	ssyncset.done $0x0  }
0x126: {  	s4 =	simm.s32 $0x6;
	s28 =	rddreg [dreg:$0x8];
	[sflag:s26] =	ssyncadd.s32 $0xFFFFB000  }
0x127: {  	[hbm4b:s28+s3] =	stream.linear.scatter [tilespmem:s1], [sflag:$0xB], $0x5000, $0x38;
	[tilespmem:$0x1E080] =	vst v63  }
0x128: {  	_ =	swait.ge [sflag:s4], $0x5000  }
0x129: {  	[sflag:s4] =	ssyncset.done $0x0  }
0x12a: {  	s10 =	rddreg [dreg:$0x9];
	[sflag:s4] =	ssyncadd.s32 $0xFFFFB000  }
0x12b: {  	[hbm4b:s10+s3] =	stream.linear.scatter [tilespmem:s13], [sflag:$0xC], $0x5000, $0x38;
	[tilespmem:$0x1E080] =	vst v63  }
0x12c: {  	_ =	swait.ge [sflag:s22], $0x5000  }
0x12d: {  	[sflag:s22] =	ssyncset.done $0x0  }
0x12e: {  	s28 =	rddreg [dreg:$0xa];
	[sflag:s22] =	ssyncadd.s32 $0xFFFFB000  }
0x12f: {  	[hbm4b:s28+s3] =	stream.linear.scatter [tilespmem:s21], [sflag:$0x7], $0x5000, $0x38;
	[tilespmem:$0x1E080] =	vst v63  }
0x130: {  	_ =	swait.ge [sflag:s15], $0x5000  }
0x131: {  	[sflag:s15] =	ssyncset.done $0x0  }
0x132: {  	s1 =	rddreg [dreg:$0xb];
	[sflag:s15] =	ssyncadd.s32 $0xFFFFB000  }
0x133: {  	[hbm4b:s1+s3] =	stream.linear.scatter [tilespmem:s0], [sflag:$0x8], $0x5000, $0x38;
	[tilespmem:$0x1E080] =	vst v63  }
0x134: {  	_ =	swait.ge [sflag:s14], $0x5000  }
0x135: {  	[sflag:s14] =	ssyncset.done $0x0  }
0x136: {  	[sflag:s14] =	ssyncadd.s32 $0xFFFFB000  }
0x137: {  	_ =	swait.ge [sflag:s16], $0x5000  }
0x138: {  	[sflag:s16] =	ssyncset.done $0x0  }
0x139: {  	s4 =	simm.s32 $0x9;
	[sflag:s16] =	ssyncadd.s32 $0xFFFFB000  }
0x13a: {  	_ =	swait.ge [sflag:s4], $0x5000  }
0x13b: {  	[sflag:s4] =	ssyncset.done $0x0  }
0x13c: {  	s10 =	simm.s32 $0xA;
	[sflag:s4] =	ssyncadd.s32 $0xFFFFB000  }
0x13d: {  	_ =	swait.ge [sflag:s10], $0x5000  }
0x13e: {  	[sflag:s10] =	ssyncset.done $0x0  }
0x13f: {  	s26 =	simm.s32 $0xB;
	[sflag:s10] =	ssyncadd.s32 $0xFFFFB000  }
0x140: {  	p0 =	sne.s32 s9, $0x1;
	_ =	swait.ge [sflag:s26], $0x5000  }
.Ltmp0:
0x141: {  	[sflag:s26] =	ssyncset.done $0x0;
	(pc) =	sbr.rel @p0 .LBB2_1-.Ltmp0, $4  }
0x142: {  	s28 =	simm.s32 $0xC;
	[sflag:s26] =	ssyncadd.s32 $0xFFFFB000  }
0x143: {  	_ =	swait.ge [sflag:s28], $0x5000  }
0x144: {  	[sflag:s28] =	ssyncset.done $0x0  }
0x145: {  	s9 =	sadd.s32 $0xFFFFFFFF, s9;
	[sflag:s28] =	ssyncadd.s32 $0xFFFFB000  }
0x146: {  	_ =	sfence.sel $0x180000  }
0x147: {  	[bflag:$0x0] =	sbarrier.arrive $0xFFFF  }
0x148: {  	_ =	strace $0x90000047  }
0x149: {  	s0 =	stileid.u32;
	[bflag:$0x2] =	sbarrier.arrive $0xFFFF  }
0x14a: {  	p0 =	sne.s32 s0, $0x0;
	s0 =	rddreg [dreg:$0x3]  }
0x14b: {  	s0 =	sadd.s32 @!p0 $0x100000, s0  }
0x14c: {  	[sflag:s0] =	ssyncadd.tile.s32 @!p0 $0x1;
	_ =	shalt  }
.Lfunc_end2:
_tile_overlayer_lowered:
.L_overlay_start_2:
0x14d: {  	(tag) =	ssettag $0x2  }
0x14e: {  	s0 =	rddreg [dreg:$0x0];
	s2 =	stileid.u32  }
0x14f: {  	s1 =	rddreg [dreg:$0x1];
	p0 =	sne.s32 s2, $0x0  }
0x150: {  	s3 =	rddreg [dreg:$0x2];
	[bflag:$0x3] =	sbarrier.arrive $0xFFFF;
	s2 =	simm.s32 @!p0 $0x1C0D  }
0x151: {  	[timem:s3], [sflag:s2] =	dma.local @!p0 [hbm:s0], s1  }
0x152: {  	s0 =	simm.s32 @!p0 $0xD  }
0x153: {  	_ =	swait.ge @!p0 [sflag:s0], s1  }
0x154: {  	s1 =	ssub.s32 @!p0 $0x0, s1;
	[sflag:s0] =	ssyncset.done @!p0 $0x0  }
0x155: {  	[sflag:s0] =	ssyncadd.s32 @!p0 s1  }
0x156: {  	[bflag:$0x3] =	sbarrier.arrive $0xFFFF  }
0x157: {  	_ =	shalt  }

</sc_bundles>
